<compile_context>
chip_gen: v7x
topology: tpu7x:2x2x1
jax: 0.10.2.dev20260603
libtpu: 0.0.44.dev20260713+nightly
codegen_flags: <defaults>
</compile_context>

<pallas_src>
import jax
import jax.numpy as jnp
from jax import lax
from jax.experimental import pallas as pl
from jax.experimental.pallas import tpu as pltpu
from jax.experimental.pallas import tpu_sc as plsc

_NC = 2
_NS = 16
_NW = _NC * _NS

_N = 10000
_E = 320000
_DF = 128
_DE = 128
_MAXDEG = 128

_BINS = 10240
_CHUNK = _BINS // _NS
_CW = 128
_NCHUNK = _E // _CW
_CPT = _NCHUNK // _NW
_XTRA = _NCHUNK - _CPT * _NW
_UNROLL = 6


def _hist_body(edges_hbm, out_hbm, idx_v, ones_v, chunk_v, shared,
               sem_c, sem_s):
    c = lax.axis_index("c")
    s = lax.axis_index("s")
    wid = c * _NS + s
    base = wid * _CPT + jnp.minimum(wid, _XTRA)

    main = _CPT * _CW
    col0 = pl.multiple_of(base * _CW, _CW)
    staged = pltpu.async_copy(edges_hbm.at[:, pl.ds(col0, main)],
                              idx_v.at[:, pl.ds(0, main)], sem_s)

    @pl.when(wid < _XTRA)
    def _():
        colx = pl.multiple_of((base + _CPT) * _CW, _CW)
        pltpu.sync_copy(edges_hbm.at[:, pl.ds(colx, _CW)],
                        idx_v.at[:, pl.ds(main, _CW)])

    for k in range(_CW // 16):
        ones_v[pl.ds(k * 16, 16)] = jnp.ones((16,), jnp.float32)
    for k in range(_CHUNK // 16):
        chunk_v[pl.ds(k * 16, 16)] = jnp.zeros((16,), jnp.float32)

    pltpu.sync_copy(chunk_v, shared.at[pl.ds(s * _CHUNK, _CHUNK)])
    plsc.subcore_barrier()
    staged.wait()

    def fire(j, carry):
        for k in range(_UNROLL):
            off = pl.multiple_of((j * _UNROLL + k) * _CW, _CW)
            pltpu.async_copy(ones_v,
                             shared.at[idx_v.at[1, pl.ds(off, _CW)]],
                             sem_c, add=True)
        return carry

    lax.fori_loop(0, _CPT // _UNROLL, fire, 0)

    @pl.when(wid < _XTRA)
    def _():
        pltpu.sync_copy(ones_v, shared.at[idx_v.at[1, pl.ds(main, _CW)]],
                        add=True)

    pltpu.make_async_copy(edges_hbm.at[0, pl.ds(0, main)],
                          idx_v.at[0, pl.ds(0, main)], sem_c).wait()
    plsc.subcore_barrier()

    pltpu.sync_copy(shared.at[pl.ds(s * _CHUNK, _CHUNK)], chunk_v)
    pltpu.sync_copy(chunk_v, out_hbm.at[pl.ds(c * _BINS + s * _CHUNK, _CHUNK)])


_hist = pl.kernel(
    _hist_body,
    out_type=jax.ShapeDtypeStruct((_NC * _BINS,), jnp.float32),
    mesh=plsc.VectorSubcoreMesh(core_axis_name="c", subcore_axis_name="s"),
    scratch_types=[
        pltpu.VMEM((2, (_CPT + 1) * _CW), jnp.int32),
        pltpu.VMEM((_CW,), jnp.float32),
        pltpu.VMEM((_CHUNK,), jnp.float32),
        pltpu.VMEM_SHARED((_BINS,), jnp.float32),
        pltpu.SemaphoreType.DMA,
        pltpu.SemaphoreType.DMA,
    ],
)

_RB = 1024
_RE = 5120


def _tc_copy_body(x_ref, out_ref):
    out_ref[...] = x_ref[...]


def _tc_emb_body(o1_ref, d0_ref, d1_ref, w_ref, out_ref):
    del o1_ref
    deg = jnp.reshape(d0_ref[...] + d1_ref[...], (1, _RE))
    deg_i = jnp.minimum(deg.astype(jnp.int32), _MAXDEG - 1)
    iota = lax.broadcasted_iota(jnp.int32, (_MAXDEG, _RE), 0)
    onehot = (iota == deg_i).astype(jnp.float32)
    out_ref[...] = lax.dot_general(onehot, w_ref[...],
                                   (((0,), (0,)), ((), ())),
                                   preferred_element_type=jnp.float32)


def kernel(x, edge_index, W):
    partials = _hist(edge_index)
    out1 = pl.pallas_call(
        _tc_copy_body,
        grid=(pl.cdiv(_N, _RB),),
        in_specs=[pl.BlockSpec((_RB, _DF), lambda i: (i, 0))],
        out_specs=pl.BlockSpec((_RB, _DF), lambda i: (i, 0)),
        out_shape=jax.ShapeDtypeStruct((_N, _DF + _DE), jnp.float32),
    )(x)
    nblk = _BINS // _RE
    return pl.pallas_call(
        _tc_emb_body,
        grid=(pl.cdiv(_N, _RE),),
        in_specs=[
            pl.BlockSpec(memory_space=pltpu.MemorySpace.HBM),
            pl.BlockSpec((_RE,), lambda i: (i,)),
            pl.BlockSpec((_RE,), lambda i: (i + nblk,)),
            pl.BlockSpec((_MAXDEG, _DE), lambda i: (0, 0)),
        ],
        out_specs=pl.BlockSpec((_RE, _DE), lambda i: (i, 1)),
        out_shape=jax.ShapeDtypeStruct((_N, _DF + _DE), jnp.float32),
        input_output_aliases={0: 0},
    )(out1, partials, partials, W)

# --- scband reference (transcript-rebuilt; emitter-appended) ---
"""Pipeline reference for scband-degree-encoder-15092515078619 (READ-ONLY COPY).

The authoritative reference and input builder live on the scoring server;
editing this copy changes nothing except your own understanding.
"""

import jax, jax.numpy as jnp
import numpy as np

N_NODES = 10000
N_EDGES = 320000
D_FEAT = 128
MAX_DEG = 128
D_EMB = 128


def setup_inputs(seed: int = 0) -> dict:
    key = jax.random.key(seed)
    k1, k2, k3 = jax.random.split(key, 3)
    x = jax.random.normal(k1, (N_NODES, D_FEAT), dtype=jnp.float32)
    edge_index = jax.random.randint(k2, (2, N_EDGES), 0, N_NODES, dtype=jnp.int32)
    # learned parameter: degree embedding table (nn.Embedding weight)
    W = jax.random.normal(k3, (MAX_DEG, D_EMB), dtype=jnp.float32) * 0.02
    return {"x": x, "edge_index": edge_index, "W": W}


def reference(x, edge_index, W):
    num_nodes = x.shape[0]
    # pyg.utils.degree(edge_index[1], num_nodes, dtype=float): scatter-add of ones
    degree = jnp.zeros((num_nodes,), dtype=jnp.float32).at[edge_index[1]].add(1.0)
    deg_idx = degree.astype(jnp.int32)
    # embedding lookup (gather); JAX clamps out-of-range indices like torch would error
    degree_emb = jnp.take(W, deg_idx, axis=0)
    # batch.x = cat([x, degree_emb], dim=1)
    return jnp.concatenate([x, degree_emb], axis=1)

if __name__ == "__main__":
    import jax
    _d = setup_inputs()
    print(jax.jit(kernel)(*tuple(_d.values())))

</pallas_src>

<mosaic_0001>
#map = affine_map<(d0, d1) -> (0, 0)>
#map1 = affine_map<(d0, d1) -> (0)>
module attributes {stable_mosaic.version = 14 : i64} {
  func.func @_hist_body(%arg0: i32, %arg1: i32, %arg2: memref<2x320000xi32, #tpu.memory_space<hbm>>, %arg3: memref<20480xf32, #tpu.memory_space<hbm>>, %arg4: memref<2x10112xi32, #tpu.memory_space<vmem>>, %arg5: memref<128xf32, #tpu.memory_space<vmem>>, %arg6: memref<640xf32, #tpu.memory_space<vmem>>, %arg7: memref<10240xf32, #tpu.memory_space<vmem_shared>>, %arg8: memref<!tpu.dma_semaphore, #tpu.memory_space<semaphore_mem>>, %arg9: memref<!tpu.dma_semaphore, #tpu.memory_space<semaphore_mem>>) attributes {dimension_semantics = [#tpu.dimension_semantics<core_parallel>, #tpu.dimension_semantics<subcore_parallel>], iteration_bounds = array<i64: 2, 16>, scalar_prefetch = 0 : i64, scratch_operands = 6 : i64, tpu.core_type = #tpu.core_type<sc_vector_subcore>, window_params = [{transform_indices = #map}, {transform_indices = #map1}]} {
    %mul3A = arith.constant 16 : i32
    %mul3A_0 = arith.muli %arg0, %mul3A : i32
    %add3A = arith.addi %mul3A_0, %arg1 : i32
    %mul3A_1 = arith.constant 78 : i32
    %mul3A_2 = arith.muli %add3A, %mul3A_1 : i32
    %min3A = arith.constant 4 : i32
    %min3A_3 = arith.minsi %add3A, %min3A : i32
    %add3A_4 = arith.addi %mul3A_2, %min3A_3 : i32
    %mul3A_5 = arith.constant 128 : i32
    %mul3A_6 = arith.muli %add3A_4, %mul3A_5 : i32
    %multiple_of3A = tpu.assume_multiple %mul3A_6, 128 : i32
    %dma_start3A = arith.constant 0 : i32
    %dma_start3A_7 = arith.constant 0 : i32
    %dma_start3A_8 = tpu.memref_slice %arg4[%dma_start3A, %dma_start3A_7] : memref<2x10112xi32, #tpu.memory_space<vmem>> -> memref<2x9984xi32, #tpu.memory_space<vmem>>
    %dma_start3A_9 = arith.constant 0 : i32
    %dma_start3A_10 = tpu.memref_slice %arg2[%dma_start3A_9, %multiple_of3A] : memref<2x320000xi32, #tpu.memory_space<hbm>> -> memref<2x9984xi32, #tpu.memory_space<hbm>>
    %dma_start3A_11 = arith.constant 0 : i32
    %dma_start3A_12 = arith.constant 0 : i32
    %dma_start3A_13 = tpu.memref_slice %arg4[%dma_start3A_11, %dma_start3A_12] : memref<2x10112xi32, #tpu.memory_space<vmem>> -> memref<2x9984xi32, #tpu.memory_space<vmem>>
    %dma_start3A_14 = arith.constant 0 : i32
    %dma_start3A_15 = tpu.memref_slice %arg2[%dma_start3A_14, %multiple_of3A] : memref<2x320000xi32, #tpu.memory_space<hbm>> -> memref<2x9984xi32, #tpu.memory_space<hbm>>
    tpu.enqueue_dma source(%dma_start3A_15 : memref<2x9984xi32, #tpu.memory_space<hbm>>) target(%dma_start3A_13 : memref<2x9984xi32, #tpu.memory_space<vmem>>) target_semaphore(%arg9 : memref<!tpu.dma_semaphore, #tpu.memory_space<semaphore_mem>>)
    %lt3A = arith.constant 4 : i32
    %lt3A_16 = arith.cmpi slt, %add3A, %lt3A : i32
    %convert_element_type3A = arith.extui %lt3A_16 : i1 to i32
    %cond3A = arith.constant 0 : i32
    %cond3A_17 = arith.cmpi ne, %convert_element_type3A, %cond3A : i32
    scf.if %cond3A_17 {
      %add3A_347 = arith.constant 78 : i32
      %add3A_348 = arith.addi %add3A_4, %add3A_347 : i32
      %mul3A_349 = arith.constant 128 : i32
      %mul3A_350 = arith.muli %add3A_348, %mul3A_349 : i32
      %multiple_of3A_351 = tpu.assume_multiple %mul3A_350, 128 : i32
      "tpu.region"() ({
        %run_scoped3A = tpu.sem_alloc : memref<!tpu.dma_semaphore, #tpu.memory_space<semaphore_mem>>
        %dma_start3A_352 = arith.constant 0 : i32
        %dma_start3A_353 = arith.constant 9984 : i32
        %dma_start3A_354 = tpu.memref_slice %arg4[%dma_start3A_352, %dma_start3A_353] : memref<2x10112xi32, #tpu.memory_space<vmem>> -> memref<2x128xi32, #tpu.memory_space<vmem>>
        %dma_start3A_355 = arith.constant 0 : i32
        %dma_start3A_356 = tpu.memref_slice %arg2[%dma_start3A_355, %multiple_of3A_351] : memref<2x320000xi32, #tpu.memory_space<hbm>> -> memref<2x128xi32, #tpu.memory_space<hbm>>
        %dma_start3A_357 = arith.constant 0 : i32
        %dma_start3A_358 = arith.constant 9984 : i32
        %dma_start3A_359 = tpu.memref_slice %arg4[%dma_start3A_357, %dma_start3A_358] : memref<2x10112xi32, #tpu.memory_space<vmem>> -> memref<2x128xi32, #tpu.memory_space<vmem>>
        %dma_start3A_360 = arith.constant 0 : i32
        %dma_start3A_361 = tpu.memref_slice %arg2[%dma_start3A_360, %multiple_of3A_351] : memref<2x320000xi32, #tpu.memory_space<hbm>> -> memref<2x128xi32, #tpu.memory_space<hbm>>
        tpu.enqueue_dma source(%dma_start3A_361 : memref<2x128xi32, #tpu.memory_space<hbm>>) target(%dma_start3A_359 : memref<2x128xi32, #tpu.memory_space<vmem>>) target_semaphore(%run_scoped3A : memref<!tpu.dma_semaphore, #tpu.memory_space<semaphore_mem>>)
        %dma_wait3A_362 = arith.constant 0 : i32
        %dma_wait3A_363 = arith.constant 9984 : i32
        %dma_wait3A_364 = tpu.memref_slice %arg4[%dma_wait3A_362, %dma_wait3A_363] : memref<2x10112xi32, #tpu.memory_space<vmem>> -> memref<2x128xi32, #tpu.memory_space<vmem>>
        %dma_wait3A_365 = arith.constant 0 : i32
        %dma_wait3A_366 = tpu.memref_slice %arg2[%dma_wait3A_365, %multiple_of3A_351] : memref<2x320000xi32, #tpu.memory_space<hbm>> -> memref<2x128xi32, #tpu.memory_space<hbm>>
        %dma_wait3A_367 = arith.constant 0 : i32
        %dma_wait3A_368 = arith.constant 9984 : i32
        %dma_wait3A_369 = tpu.memref_slice %arg4[%dma_wait3A_367, %dma_wait3A_368] : memref<2x10112xi32, #tpu.memory_space<vmem>> -> memref<2x128xi32, #tpu.memory_space<vmem>>
        %dma_wait3A_370 = arith.constant 0 : i32
        %dma_wait3A_371 = tpu.memref_slice %arg2[%dma_wait3A_370, %multiple_of3A_351] : memref<2x320000xi32, #tpu.memory_space<hbm>> -> memref<2x128xi32, #tpu.memory_space<hbm>>
        tpu.wait_dma2 semaphore(%run_scoped3A : memref<!tpu.dma_semaphore, #tpu.memory_space<semaphore_mem>>) src(%dma_wait3A_371 : memref<2x128xi32, #tpu.memory_space<hbm>>) dst(%dma_wait3A_369 : memref<2x128xi32, #tpu.memory_space<vmem>>)
        tpu.yield
      }) : () -> ()
    } else {
    }
    %broadcast_in_dim3A = arith.constant 1.000000e+00 : f32
    %broadcast_in_dim3A_18 = vector.broadcast %broadcast_in_dim3A : f32 to vector<16xf32>
    %swap3A = arith.constant 0 : index
    %swap3A_19 = tpu.vector_load %arg5[%swap3A] {strides = array<i32>} : memref<128xf32, #tpu.memory_space<vmem>>, vector<16xf32>,
    %swap3A_20 = vector.shape_cast %swap3A_19 : vector<16xf32> to vector<16xf32>
    %swap3A_21 = vector.shape_cast %broadcast_in_dim3A_18 : vector<16xf32> to vector<16xf32>
    tpu.vector_store %arg5[%swap3A], %swap3A_21 {strides = array<i32>} : memref<128xf32, #tpu.memory_space<vmem>>, vector<16xf32>,
    %broadcast_in_dim3A_22 = arith.constant 1.000000e+00 : f32
    %broadcast_in_dim3A_23 = vector.broadcast %broadcast_in_dim3A_22 : f32 to vector<16xf32>
    %swap3A_24 = arith.constant 16 : index
    %swap3A_25 = tpu.vector_load %arg5[%swap3A_24] {strides = array<i32>} : memref<128xf32, #tpu.memory_space<vmem>>, vector<16xf32>,
    %swap3A_26 = vector.shape_cast %swap3A_25 : vector<16xf32> to vector<16xf32>
    %swap3A_27 = vector.shape_cast %broadcast_in_dim3A_23 : vector<16xf32> to vector<16xf32>
    tpu.vector_store %arg5[%swap3A_24], %swap3A_27 {strides = array<i32>} : memref<128xf32, #tpu.memory_space<vmem>>, vector<16xf32>,
    %broadcast_in_dim3A_28 = arith.constant 1.000000e+00 : f32
    %broadcast_in_dim3A_29 = vector.broadcast %broadcast_in_dim3A_28 : f32 to vector<16xf32>
    %swap3A_30 = arith.constant 32 : index
    %swap3A_31 = tpu.vector_load %arg5[%swap3A_30] {strides = array<i32>} : memref<128xf32, #tpu.memory_space<vmem>>, vector<16xf32>,
    %swap3A_32 = vector.shape_cast %swap3A_31 : vector<16xf32> to vector<16xf32>
    %swap3A_33 = vector.shape_cast %broadcast_in_dim3A_29 : vector<16xf32> to vector<16xf32>
    tpu.vector_store %arg5[%swap3A_30], %swap3A_33 {strides = array<i32>} : memref<128xf32, #tpu.memory_space<vmem>>, vector<16xf32>,
    %broadcast_in_dim3A_34 = arith.constant 1.000000e+00 : f32
    %broadcast_in_dim3A_35 = vector.broadcast %broadcast_in_dim3A_34 : f32 to vector<16xf32>
    %swap3A_36 = arith.constant 48 : index
    %swap3A_37 = tpu.vector_load %arg5[%swap3A_36] {strides = array<i32>} : memref<128xf32, #tpu.memory_space<vmem>>, vector<16xf32>,
    %swap3A_38 = vector.shape_cast %swap3A_37 : vector<16xf32> to vector<16xf32>
    %swap3A_39 = vector.shape_cast %broadcast_in_dim3A_35 : vector<16xf32> to vector<16xf32>
    tpu.vector_store %arg5[%swap3A_36], %swap3A_39 {strides = array<i32>} : memref<128xf32, #tpu.memory_space<vmem>>, vector<16xf32>,
    %broadcast_in_dim3A_40 = arith.constant 1.000000e+00 : f32
    %broadcast_in_dim3A_41 = vector.broadcast %broadcast_in_dim3A_40 : f32 to vector<16xf32>
    %swap3A_42 = arith.constant 64 : index
    %swap3A_43 = tpu.vector_load %arg5[%swap3A_42] {strides = array<i32>} : memref<128xf32, #tpu.memory_space<vmem>>, vector<16xf32>,
    %swap3A_44 = vector.shape_cast %swap3A_43 : vector<16xf32> to vector<16xf32>
    %swap3A_45 = vector.shape_cast %broadcast_in_dim3A_41 : vector<16xf32> to vector<16xf32>
    tpu.vector_store %arg5[%swap3A_42], %swap3A_45 {strides = array<i32>} : memref<128xf32, #tpu.memory_space<vmem>>, vector<16xf32>,
    %broadcast_in_dim3A_46 = arith.constant 1.000000e+00 : f32
    %broadcast_in_dim3A_47 = vector.broadcast %broadcast_in_dim3A_46 : f32 to vector<16xf32>
    %swap3A_48 = arith.constant 80 : index
    %swap3A_49 = tpu.vector_load %arg5[%swap3A_48] {strides = array<i32>} : memref<128xf32, #tpu.memory_space<vmem>>, vector<16xf32>,
    %swap3A_50 = vector.shape_cast %swap3A_49 : vector<16xf32> to vector<16xf32>
    %swap3A_51 = vector.shape_cast %broadcast_in_dim3A_47 : vector<16xf32> to vector<16xf32>
    tpu.vector_store %arg5[%swap3A_48], %swap3A_51 {strides = array<i32>} : memref<128xf32, #tpu.memory_space<vmem>>, vector<16xf32>,
    %broadcast_in_dim3A_52 = arith.constant 1.000000e+00 : f32
    %broadcast_in_dim3A_53 = vector.broadcast %broadcast_in_dim3A_52 : f32 to vector<16xf32>
    %swap3A_54 = arith.constant 96 : index
    %swap3A_55 = tpu.vector_load %arg5[%swap3A_54] {strides = array<i32>} : memref<128xf32, #tpu.memory_space<vmem>>, vector<16xf32>,
    %swap3A_56 = vector.shape_cast %swap3A_55 : vector<16xf32> to vector<16xf32>
    %swap3A_57 = vector.shape_cast %broadcast_in_dim3A_53 : vector<16xf32> to vector<16xf32>
    tpu.vector_store %arg5[%swap3A_54], %swap3A_57 {strides = array<i32>} : memref<128xf32, #tpu.memory_space<vmem>>, vector<16xf32>,
    %broadcast_in_dim3A_58 = arith.constant 1.000000e+00 : f32
    %broadcast_in_dim3A_59 = vector.broadcast %broadcast_in_dim3A_58 : f32 to vector<16xf32>
    %swap3A_60 = arith.constant 112 : index
    %swap3A_61 = tpu.vector_load %arg5[%swap3A_60] {strides = array<i32>} : memref<128xf32, #tpu.memory_space<vmem>>, vector<16xf32>,
    %swap3A_62 = vector.shape_cast %swap3A_61 : vector<16xf32> to vector<16xf32>
    %swap3A_63 = vector.shape_cast %broadcast_in_dim3A_59 : vector<16xf32> to vector<16xf32>
    tpu.vector_store %arg5[%swap3A_60], %swap3A_63 {strides = array<i32>} : memref<128xf32, #tpu.memory_space<vmem>>, vector<16xf32>,
    %broadcast_in_dim3A_64 = arith.constant 0.000000e+00 : f32
    %broadcast_in_dim3A_65 = vector.broadcast %broadcast_in_dim3A_64 : f32 to vector<16xf32>
    %swap3A_66 = arith.constant 0 : index
    %swap3A_67 = tpu.vector_load %arg6[%swap3A_66] {strides = array<i32>} : memref<640xf32, #tpu.memory_space<vmem>>, vector<16xf32>,
    %swap3A_68 = vector.shape_cast %swap3A_67 : vector<16xf32> to vector<16xf32>
    %swap3A_69 = vector.shape_cast %broadcast_in_dim3A_65 : vector<16xf32> to vector<16xf32>
    tpu.vector_store %arg6[%swap3A_66], %swap3A_69 {strides = array<i32>} : memref<640xf32, #tpu.memory_space<vmem>>, vector<16xf32>,
    %broadcast_in_dim3A_70 = arith.constant 0.000000e+00 : f32
    %broadcast_in_dim3A_71 = vector.broadcast %broadcast_in_dim3A_70 : f32 to vector<16xf32>
    %swap3A_72 = arith.constant 16 : index
    %swap3A_73 = tpu.vector_load %arg6[%swap3A_72] {strides = array<i32>} : memref<640xf32, #tpu.memory_space<vmem>>, vector<16xf32>,
    %swap3A_74 = vector.shape_cast %swap3A_73 : vector<16xf32> to vector<16xf32>
    %swap3A_75 = vector.shape_cast %broadcast_in_dim3A_71 : vector<16xf32> to vector<16xf32>
    tpu.vector_store %arg6[%swap3A_72], %swap3A_75 {strides = array<i32>} : memref<640xf32, #tpu.memory_space<vmem>>, vector<16xf32>,
    %broadcast_in_dim3A_76 = arith.constant 0.000000e+00 : f32
    %broadcast_in_dim3A_77 = vector.broadcast %broadcast_in_dim3A_76 : f32 to vector<16xf32>
    %swap3A_78 = arith.constant 32 : index
    %swap3A_79 = tpu.vector_load %arg6[%swap3A_78] {strides = array<i32>} : memref<640xf32, #tpu.memory_space<vmem>>, vector<16xf32>,
    %swap3A_80 = vector.shape_cast %swap3A_79 : vector<16xf32> to vector<16xf32>
    %swap3A_81 = vector.shape_cast %broadcast_in_dim3A_77 : vector<16xf32> to vector<16xf32>
    tpu.vector_store %arg6[%swap3A_78], %swap3A_81 {strides = array<i32>} : memref<640xf32, #tpu.memory_space<vmem>>, vector<16xf32>,
    %broadcast_in_dim3A_82 = arith.constant 0.000000e+00 : f32
    %broadcast_in_dim3A_83 = vector.broadcast %broadcast_in_dim3A_82 : f32 to vector<16xf32>
    %swap3A_84 = arith.constant 48 : index
    %swap3A_85 = tpu.vector_load %arg6[%swap3A_84] {strides = array<i32>} : memref<640xf32, #tpu.memory_space<vmem>>, vector<16xf32>,
    %swap3A_86 = vector.shape_cast %swap3A_85 : vector<16xf32> to vector<16xf32>
    %swap3A_87 = vector.shape_cast %broadcast_in_dim3A_83 : vector<16xf32> to vector<16xf32>
    tpu.vector_store %arg6[%swap3A_84], %swap3A_87 {strides = array<i32>} : memref<640xf32, #tpu.memory_space<vmem>>, vector<16xf32>,
    %broadcast_in_dim3A_88 = arith.constant 0.000000e+00 : f32
    %broadcast_in_dim3A_89 = vector.broadcast %broadcast_in_dim3A_88 : f32 to vector<16xf32>
    %swap3A_90 = arith.constant 64 : index
    %swap3A_91 = tpu.vector_load %arg6[%swap3A_90] {strides = array<i32>} : memref<640xf32, #tpu.memory_space<vmem>>, vector<16xf32>,
    %swap3A_92 = vector.shape_cast %swap3A_91 : vector<16xf32> to vector<16xf32>
    %swap3A_93 = vector.shape_cast %broadcast_in_dim3A_89 : vector<16xf32> to vector<16xf32>
    tpu.vector_store %arg6[%swap3A_90], %swap3A_93 {strides = array<i32>} : memref<640xf32, #tpu.memory_space<vmem>>, vector<16xf32>,
    %broadcast_in_dim3A_94 = arith.constant 0.000000e+00 : f32
    %broadcast_in_dim3A_95 = vector.broadcast %broadcast_in_dim3A_94 : f32 to vector<16xf32>
    %swap3A_96 = arith.constant 80 : index
    %swap3A_97 = tpu.vector_load %arg6[%swap3A_96] {strides = array<i32>} : memref<640xf32, #tpu.memory_space<vmem>>, vector<16xf32>,
    %swap3A_98 = vector.shape_cast %swap3A_97 : vector<16xf32> to vector<16xf32>
    %swap3A_99 = vector.shape_cast %broadcast_in_dim3A_95 : vector<16xf32> to vector<16xf32>
    tpu.vector_store %arg6[%swap3A_96], %swap3A_99 {strides = array<i32>} : memref<640xf32, #tpu.memory_space<vmem>>, vector<16xf32>,
    %broadcast_in_dim3A_100 = arith.constant 0.000000e+00 : f32
    %broadcast_in_dim3A_101 = vector.broadcast %broadcast_in_dim3A_100 : f32 to vector<16xf32>
    %swap3A_102 = arith.constant 96 : index
    %swap3A_103 = tpu.vector_load %arg6[%swap3A_102] {strides = array<i32>} : memref<640xf32, #tpu.memory_space<vmem>>, vector<16xf32>,
    %swap3A_104 = vector.shape_cast %swap3A_103 : vector<16xf32> to vector<16xf32>
    %swap3A_105 = vector.shape_cast %broadcast_in_dim3A_101 : vector<16xf32> to vector<16xf32>
    tpu.vector_store %arg6[%swap3A_102], %swap3A_105 {strides = array<i32>} : memref<640xf32, #tpu.memory_space<vmem>>, vector<16xf32>,
    %broadcast_in_dim3A_106 = arith.constant 0.000000e+00 : f32
    %broadcast_in_dim3A_107 = vector.broadcast %broadcast_in_dim3A_106 : f32 to vector<16xf32>
    %swap3A_108 = arith.constant 112 : index
    %swap3A_109 = tpu.vector_load %arg6[%swap3A_108] {strides = array<i32>} : memref<640xf32, #tpu.memory_space<vmem>>, vector<16xf32>,
    %swap3A_110 = vector.shape_cast %swap3A_109 : vector<16xf32> to vector<16xf32>
    %swap3A_111 = vector.shape_cast %broadcast_in_dim3A_107 : vector<16xf32> to vector<16xf32>
    tpu.vector_store %arg6[%swap3A_108], %swap3A_111 {strides = array<i32>} : memref<640xf32, #tpu.memory_space<vmem>>, vector<16xf32>,
    %broadcast_in_dim3A_112 = arith.constant 0.000000e+00 : f32
    %broadcast_in_dim3A_113 = vector.broadcast %broadcast_in_dim3A_112 : f32 to vector<16xf32>
    %swap3A_114 = arith.constant 128 : index
    %swap3A_115 = tpu.vector_load %arg6[%swap3A_114] {strides = array<i32>} : memref<640xf32, #tpu.memory_space<vmem>>, vector<16xf32>,
    %swap3A_116 = vector.shape_cast %swap3A_115 : vector<16xf32> to vector<16xf32>
    %swap3A_117 = vector.shape_cast %broadcast_in_dim3A_113 : vector<16xf32> to vector<16xf32>
    tpu.vector_store %arg6[%swap3A_114], %swap3A_117 {strides = array<i32>} : memref<640xf32, #tpu.memory_space<vmem>>, vector<16xf32>,
    %broadcast_in_dim3A_118 = arith.constant 0.000000e+00 : f32
    %broadcast_in_dim3A_119 = vector.broadcast %broadcast_in_dim3A_118 : f32 to vector<16xf32>
    %swap3A_120 = arith.constant 144 : index
    %swap3A_121 = tpu.vector_load %arg6[%swap3A_120] {strides = array<i32>} : memref<640xf32, #tpu.memory_space<vmem>>, vector<16xf32>,
    %swap3A_122 = vector.shape_cast %swap3A_121 : vector<16xf32> to vector<16xf32>
    %swap3A_123 = vector.shape_cast %broadcast_in_dim3A_119 : vector<16xf32> to vector<16xf32>
    tpu.vector_store %arg6[%swap3A_120], %swap3A_123 {strides = array<i32>} : memref<640xf32, #tpu.memory_space<vmem>>, vector<16xf32>,
    %broadcast_in_dim3A_124 = arith.constant 0.000000e+00 : f32
    %broadcast_in_dim3A_125 = vector.broadcast %broadcast_in_dim3A_124 : f32 to vector<16xf32>
    %swap3A_126 = arith.constant 160 : index
    %swap3A_127 = tpu.vector_load %arg6[%swap3A_126] {strides = array<i32>} : memref<640xf32, #tpu.memory_space<vmem>>, vector<16xf32>,
    %swap3A_128 = vector.shape_cast %swap3A_127 : vector<16xf32> to vector<16xf32>
    %swap3A_129 = vector.shape_cast %broadcast_in_dim3A_125 : vector<16xf32> to vector<16xf32>
    tpu.vector_store %arg6[%swap3A_126], %swap3A_129 {strides = array<i32>} : memref<640xf32, #tpu.memory_space<vmem>>, vector<16xf32>,
    %broadcast_in_dim3A_130 = arith.constant 0.000000e+00 : f32
    %broadcast_in_dim3A_131 = vector.broadcast %broadcast_in_dim3A_130 : f32 to vector<16xf32>
    %swap3A_132 = arith.constant 176 : index
    %swap3A_133 = tpu.vector_load %arg6[%swap3A_132] {strides = array<i32>} : memref<640xf32, #tpu.memory_space<vmem>>, vector<16xf32>,
    %swap3A_134 = vector.shape_cast %swap3A_133 : vector<16xf32> to vector<16xf32>
    %swap3A_135 = vector.shape_cast %broadcast_in_dim3A_131 : vector<16xf32> to vector<16xf32>
    tpu.vector_store %arg6[%swap3A_132], %swap3A_135 {strides = array<i32>} : memref<640xf32, #tpu.memory_space<vmem>>, vector<16xf32>,
    %broadcast_in_dim3A_136 = arith.constant 0.000000e+00 : f32
    %broadcast_in_dim3A_137 = vector.broadcast %broadcast_in_dim3A_136 : f32 to vector<16xf32>
    %swap3A_138 = arith.constant 192 : index
    %swap3A_139 = tpu.vector_load %arg6[%swap3A_138] {strides = array<i32>} : memref<640xf32, #tpu.memory_space<vmem>>, vector<16xf32>,
    %swap3A_140 = vector.shape_cast %swap3A_139 : vector<16xf32> to vector<16xf32>
    %swap3A_141 = vector.shape_cast %broadcast_in_dim3A_137 : vector<16xf32> to vector<16xf32>
    tpu.vector_store %arg6[%swap3A_138], %swap3A_141 {strides = array<i32>} : memref<640xf32, #tpu.memory_space<vmem>>, vector<16xf32>,
    %broadcast_in_dim3A_142 = arith.constant 0.000000e+00 : f32
    %broadcast_in_dim3A_143 = vector.broadcast %broadcast_in_dim3A_142 : f32 to vector<16xf32>
    %swap3A_144 = arith.constant 208 : index
    %swap3A_145 = tpu.vector_load %arg6[%swap3A_144] {strides = array<i32>} : memref<640xf32, #tpu.memory_space<vmem>>, vector<16xf32>,
    %swap3A_146 = vector.shape_cast %swap3A_145 : vector<16xf32> to vector<16xf32>
    %swap3A_147 = vector.shape_cast %broadcast_in_dim3A_143 : vector<16xf32> to vector<16xf32>
    tpu.vector_store %arg6[%swap3A_144], %swap3A_147 {strides = array<i32>} : memref<640xf32, #tpu.memory_space<vmem>>, vector<16xf32>,
    %broadcast_in_dim3A_148 = arith.constant 0.000000e+00 : f32
    %broadcast_in_dim3A_149 = vector.broadcast %broadcast_in_dim3A_148 : f32 to vector<16xf32>
    %swap3A_150 = arith.constant 224 : index
    %swap3A_151 = tpu.vector_load %arg6[%swap3A_150] {strides = array<i32>} : memref<640xf32, #tpu.memory_space<vmem>>, vector<16xf32>,
    %swap3A_152 = vector.shape_cast %swap3A_151 : vector<16xf32> to vector<16xf32>
    %swap3A_153 = vector.shape_cast %broadcast_in_dim3A_149 : vector<16xf32> to vector<16xf32>
    tpu.vector_store %arg6[%swap3A_150], %swap3A_153 {strides = array<i32>} : memref<640xf32, #tpu.memory_space<vmem>>, vector<16xf32>,
    %broadcast_in_dim3A_154 = arith.constant 0.000000e+00 : f32
    %broadcast_in_dim3A_155 = vector.broadcast %broadcast_in_dim3A_154 : f32 to vector<16xf32>
    %swap3A_156 = arith.constant 240 : index
    %swap3A_157 = tpu.vector_load %arg6[%swap3A_156] {strides = array<i32>} : memref<640xf32, #tpu.memory_space<vmem>>, vector<16xf32>,
    %swap3A_158 = vector.shape_cast %swap3A_157 : vector<16xf32> to vector<16xf32>
    %swap3A_159 = vector.shape_cast %broadcast_in_dim3A_155 : vector<16xf32> to vector<16xf32>
    tpu.vector_store %arg6[%swap3A_156], %swap3A_159 {strides = array<i32>} : memref<640xf32, #tpu.memory_space<vmem>>, vector<16xf32>,
    %broadcast_in_dim3A_160 = arith.constant 0.000000e+00 : f32
    %broadcast_in_dim3A_161 = vector.broadcast %broadcast_in_dim3A_160 : f32 to vector<16xf32>
    %swap3A_162 = arith.constant 256 : index
    %swap3A_163 = tpu.vector_load %arg6[%swap3A_162] {strides = array<i32>} : memref<640xf32, #tpu.memory_space<vmem>>, vector<16xf32>,
    %swap3A_164 = vector.shape_cast %swap3A_163 : vector<16xf32> to vector<16xf32>
    %swap3A_165 = vector.shape_cast %broadcast_in_dim3A_161 : vector<16xf32> to vector<16xf32>
    tpu.vector_store %arg6[%swap3A_162], %swap3A_165 {strides = array<i32>} : memref<640xf32, #tpu.memory_space<vmem>>, vector<16xf32>,
    %broadcast_in_dim3A_166 = arith.constant 0.000000e+00 : f32
    %broadcast_in_dim3A_167 = vector.broadcast %broadcast_in_dim3A_166 : f32 to vector<16xf32>
    %swap3A_168 = arith.constant 272 : index
    %swap3A_169 = tpu.vector_load %arg6[%swap3A_168] {strides = array<i32>} : memref<640xf32, #tpu.memory_space<vmem>>, vector<16xf32>,
    %swap3A_170 = vector.shape_cast %swap3A_169 : vector<16xf32> to vector<16xf32>
    %swap3A_171 = vector.shape_cast %broadcast_in_dim3A_167 : vector<16xf32> to vector<16xf32>
    tpu.vector_store %arg6[%swap3A_168], %swap3A_171 {strides = array<i32>} : memref<640xf32, #tpu.memory_space<vmem>>, vector<16xf32>,
    %broadcast_in_dim3A_172 = arith.constant 0.000000e+00 : f32
    %broadcast_in_dim3A_173 = vector.broadcast %broadcast_in_dim3A_172 : f32 to vector<16xf32>
    %swap3A_174 = arith.constant 288 : index
    %swap3A_175 = tpu.vector_load %arg6[%swap3A_174] {strides = array<i32>} : memref<640xf32, #tpu.memory_space<vmem>>, vector<16xf32>,
    %swap3A_176 = vector.shape_cast %swap3A_175 : vector<16xf32> to vector<16xf32>
    %swap3A_177 = vector.shape_cast %broadcast_in_dim3A_173 : vector<16xf32> to vector<16xf32>
    tpu.vector_store %arg6[%swap3A_174], %swap3A_177 {strides = array<i32>} : memref<640xf32, #tpu.memory_space<vmem>>, vector<16xf32>,
    %broadcast_in_dim3A_178 = arith.constant 0.000000e+00 : f32
    %broadcast_in_dim3A_179 = vector.broadcast %broadcast_in_dim3A_178 : f32 to vector<16xf32>
    %swap3A_180 = arith.constant 304 : index
    %swap3A_181 = tpu.vector_load %arg6[%swap3A_180] {strides = array<i32>} : memref<640xf32, #tpu.memory_space<vmem>>, vector<16xf32>,
    %swap3A_182 = vector.shape_cast %swap3A_181 : vector<16xf32> to vector<16xf32>
    %swap3A_183 = vector.shape_cast %broadcast_in_dim3A_179 : vector<16xf32> to vector<16xf32>
    tpu.vector_store %arg6[%swap3A_180], %swap3A_183 {strides = array<i32>} : memref<640xf32, #tpu.memory_space<vmem>>, vector<16xf32>,
    %broadcast_in_dim3A_184 = arith.constant 0.000000e+00 : f32
    %broadcast_in_dim3A_185 = vector.broadcast %broadcast_in_dim3A_184 : f32 to vector<16xf32>
    %swap3A_186 = arith.constant 320 : index
    %swap3A_187 = tpu.vector_load %arg6[%swap3A_186] {strides = array<i32>} : memref<640xf32, #tpu.memory_space<vmem>>, vector<16xf32>,
    %swap3A_188 = vector.shape_cast %swap3A_187 : vector<16xf32> to vector<16xf32>
    %swap3A_189 = vector.shape_cast %broadcast_in_dim3A_185 : vector<16xf32> to vector<16xf32>
    tpu.vector_store %arg6[%swap3A_186], %swap3A_189 {strides = array<i32>} : memref<640xf32, #tpu.memory_space<vmem>>, vector<16xf32>,
    %broadcast_in_dim3A_190 = arith.constant 0.000000e+00 : f32
    %broadcast_in_dim3A_191 = vector.broadcast %broadcast_in_dim3A_190 : f32 to vector<16xf32>
    %swap3A_192 = arith.constant 336 : index
    %swap3A_193 = tpu.vector_load %arg6[%swap3A_192] {strides = array<i32>} : memref<640xf32, #tpu.memory_space<vmem>>, vector<16xf32>,
    %swap3A_194 = vector.shape_cast %swap3A_193 : vector<16xf32> to vector<16xf32>
    %swap3A_195 = vector.shape_cast %broadcast_in_dim3A_191 : vector<16xf32> to vector<16xf32>
    tpu.vector_store %arg6[%swap3A_192], %swap3A_195 {strides = array<i32>} : memref<640xf32, #tpu.memory_space<vmem>>, vector<16xf32>,
    %broadcast_in_dim3A_196 = arith.constant 0.000000e+00 : f32
    %broadcast_in_dim3A_197 = vector.broadcast %broadcast_in_dim3A_196 : f32 to vector<16xf32>
    %swap3A_198 = arith.constant 352 : index
    %swap3A_199 = tpu.vector_load %arg6[%swap3A_198] {strides = array<i32>} : memref<640xf32, #tpu.memory_space<vmem>>, vector<16xf32>,
    %swap3A_200 = vector.shape_cast %swap3A_199 : vector<16xf32> to vector<16xf32>
    %swap3A_201 = vector.shape_cast %broadcast_in_dim3A_197 : vector<16xf32> to vector<16xf32>
    tpu.vector_store %arg6[%swap3A_198], %swap3A_201 {strides = array<i32>} : memref<640xf32, #tpu.memory_space<vmem>>, vector<16xf32>,
    %broadcast_in_dim3A_202 = arith.constant 0.000000e+00 : f32
    %broadcast_in_dim3A_203 = vector.broadcast %broadcast_in_dim3A_202 : f32 to vector<16xf32>
    %swap3A_204 = arith.constant 368 : index
    %swap3A_205 = tpu.vector_load %arg6[%swap3A_204] {strides = array<i32>} : memref<640xf32, #tpu.memory_space<vmem>>, vector<16xf32>,
    %swap3A_206 = vector.shape_cast %swap3A_205 : vector<16xf32> to vector<16xf32>
    %swap3A_207 = vector.shape_cast %broadcast_in_dim3A_203 : vector<16xf32> to vector<16xf32>
    tpu.vector_store %arg6[%swap3A_204], %swap3A_207 {strides = array<i32>} : memref<640xf32, #tpu.memory_space<vmem>>, vector<16xf32>,
    %broadcast_in_dim3A_208 = arith.constant 0.000000e+00 : f32
    %broadcast_in_dim3A_209 = vector.broadcast %broadcast_in_dim3A_208 : f32 to vector<16xf32>
    %swap3A_210 = arith.constant 384 : index
    %swap3A_211 = tpu.vector_load %arg6[%swap3A_210] {strides = array<i32>} : memref<640xf32, #tpu.memory_space<vmem>>, vector<16xf32>,
    %swap3A_212 = vector.shape_cast %swap3A_211 : vector<16xf32> to vector<16xf32>
    %swap3A_213 = vector.shape_cast %broadcast_in_dim3A_209 : vector<16xf32> to vector<16xf32>
    tpu.vector_store %arg6[%swap3A_210], %swap3A_213 {strides = array<i32>} : memref<640xf32, #tpu.memory_space<vmem>>, vector<16xf32>,
    %broadcast_in_dim3A_214 = arith.constant 0.000000e+00 : f32
    %broadcast_in_dim3A_215 = vector.broadcast %broadcast_in_dim3A_214 : f32 to vector<16xf32>
    %swap3A_216 = arith.constant 400 : index
    %swap3A_217 = tpu.vector_load %arg6[%swap3A_216] {strides = array<i32>} : memref<640xf32, #tpu.memory_space<vmem>>, vector<16xf32>,
    %swap3A_218 = vector.shape_cast %swap3A_217 : vector<16xf32> to vector<16xf32>
    %swap3A_219 = vector.shape_cast %broadcast_in_dim3A_215 : vector<16xf32> to vector<16xf32>
    tpu.vector_store %arg6[%swap3A_216], %swap3A_219 {strides = array<i32>} : memref<640xf32, #tpu.memory_space<vmem>>, vector<16xf32>,
    %broadcast_in_dim3A_220 = arith.constant 0.000000e+00 : f32
    %broadcast_in_dim3A_221 = vector.broadcast %broadcast_in_dim3A_220 : f32 to vector<16xf32>
    %swap3A_222 = arith.constant 416 : index
    %swap3A_223 = tpu.vector_load %arg6[%swap3A_222] {strides = array<i32>} : memref<640xf32, #tpu.memory_space<vmem>>, vector<16xf32>,
    %swap3A_224 = vector.shape_cast %swap3A_223 : vector<16xf32> to vector<16xf32>
    %swap3A_225 = vector.shape_cast %broadcast_in_dim3A_221 : vector<16xf32> to vector<16xf32>
    tpu.vector_store %arg6[%swap3A_222], %swap3A_225 {strides = array<i32>} : memref<640xf32, #tpu.memory_space<vmem>>, vector<16xf32>,
    %broadcast_in_dim3A_226 = arith.constant 0.000000e+00 : f32
    %broadcast_in_dim3A_227 = vector.broadcast %broadcast_in_dim3A_226 : f32 to vector<16xf32>
    %swap3A_228 = arith.constant 432 : index
    %swap3A_229 = tpu.vector_load %arg6[%swap3A_228] {strides = array<i32>} : memref<640xf32, #tpu.memory_space<vmem>>, vector<16xf32>,
    %swap3A_230 = vector.shape_cast %swap3A_229 : vector<16xf32> to vector<16xf32>
    %swap3A_231 = vector.shape_cast %broadcast_in_dim3A_227 : vector<16xf32> to vector<16xf32>
    tpu.vector_store %arg6[%swap3A_228], %swap3A_231 {strides = array<i32>} : memref<640xf32, #tpu.memory_space<vmem>>, vector<16xf32>,
    %broadcast_in_dim3A_232 = arith.constant 0.000000e+00 : f32
    %broadcast_in_dim3A_233 = vector.broadcast %broadcast_in_dim3A_232 : f32 to vector<16xf32>
    %swap3A_234 = arith.constant 448 : index
    %swap3A_235 = tpu.vector_load %arg6[%swap3A_234] {strides = array<i32>} : memref<640xf32, #tpu.memory_space<vmem>>, vector<16xf32>,
    %swap3A_236 = vector.shape_cast %swap3A_235 : vector<16xf32> to vector<16xf32>
    %swap3A_237 = vector.shape_cast %broadcast_in_dim3A_233 : vector<16xf32> to vector<16xf32>
    tpu.vector_store %arg6[%swap3A_234], %swap3A_237 {strides = array<i32>} : memref<640xf32, #tpu.memory_space<vmem>>, vector<16xf32>,
    %broadcast_in_dim3A_238 = arith.constant 0.000000e+00 : f32
    %broadcast_in_dim3A_239 = vector.broadcast %broadcast_in_dim3A_238 : f32 to vector<16xf32>
    %swap3A_240 = arith.constant 464 : index
    %swap3A_241 = tpu.vector_load %arg6[%swap3A_240] {strides = array<i32>} : memref<640xf32, #tpu.memory_space<vmem>>, vector<16xf32>,
    %swap3A_242 = vector.shape_cast %swap3A_241 : vector<16xf32> to vector<16xf32>
    %swap3A_243 = vector.shape_cast %broadcast_in_dim3A_239 : vector<16xf32> to vector<16xf32>
    tpu.vector_store %arg6[%swap3A_240], %swap3A_243 {strides = array<i32>} : memref<640xf32, #tpu.memory_space<vmem>>, vector<16xf32>,
    %broadcast_in_dim3A_244 = arith.constant 0.000000e+00 : f32
    %broadcast_in_dim3A_245 = vector.broadcast %broadcast_in_dim3A_244 : f32 to vector<16xf32>
    %swap3A_246 = arith.constant 480 : index
    %swap3A_247 = tpu.vector_load %arg6[%swap3A_246] {strides = array<i32>} : memref<640xf32, #tpu.memory_space<vmem>>, vector<16xf32>,
    %swap3A_248 = vector.shape_cast %swap3A_247 : vector<16xf32> to vector<16xf32>
    %swap3A_249 = vector.shape_cast %broadcast_in_dim3A_245 : vector<16xf32> to vector<16xf32>
    tpu.vector_store %arg6[%swap3A_246], %swap3A_249 {strides = array<i32>} : memref<640xf32, #tpu.memory_space<vmem>>, vector<16xf32>,
    %broadcast_in_dim3A_250 = arith.constant 0.000000e+00 : f32
    %broadcast_in_dim3A_251 = vector.broadcast %broadcast_in_dim3A_250 : f32 to vector<16xf32>
    %swap3A_252 = arith.constant 496 : index
    %swap3A_253 = tpu.vector_load %arg6[%swap3A_252] {strides = array<i32>} : memref<640xf32, #tpu.memory_space<vmem>>, vector<16xf32>,
    %swap3A_254 = vector.shape_cast %swap3A_253 : vector<16xf32> to vector<16xf32>
    %swap3A_255 = vector.shape_cast %broadcast_in_dim3A_251 : vector<16xf32> to vector<16xf32>
    tpu.vector_store %arg6[%swap3A_252], %swap3A_255 {strides = array<i32>} : memref<640xf32, #tpu.memory_space<vmem>>, vector<16xf32>,
    %broadcast_in_dim3A_256 = arith.constant 0.000000e+00 : f32
    %broadcast_in_dim3A_257 = vector.broadcast %broadcast_in_dim3A_256 : f32 to vector<16xf32>
    %swap3A_258 = arith.constant 512 : index
    %swap3A_259 = tpu.vector_load %arg6[%swap3A_258] {strides = array<i32>} : memref<640xf32, #tpu.memory_space<vmem>>, vector<16xf32>,
    %swap3A_260 = vector.shape_cast %swap3A_259 : vector<16xf32> to vector<16xf32>
    %swap3A_261 = vector.shape_cast %broadcast_in_dim3A_257 : vector<16xf32> to vector<16xf32>
    tpu.vector_store %arg6[%swap3A_258], %swap3A_261 {strides = array<i32>} : memref<640xf32, #tpu.memory_space<vmem>>, vector<16xf32>,
    %broadcast_in_dim3A_262 = arith.constant 0.000000e+00 : f32
    %broadcast_in_dim3A_263 = vector.broadcast %broadcast_in_dim3A_262 : f32 to vector<16xf32>
    %swap3A_264 = arith.constant 528 : index
    %swap3A_265 = tpu.vector_load %arg6[%swap3A_264] {strides = array<i32>} : memref<640xf32, #tpu.memory_space<vmem>>, vector<16xf32>,
    %swap3A_266 = vector.shape_cast %swap3A_265 : vector<16xf32> to vector<16xf32>
    %swap3A_267 = vector.shape_cast %broadcast_in_dim3A_263 : vector<16xf32> to vector<16xf32>
    tpu.vector_store %arg6[%swap3A_264], %swap3A_267 {strides = array<i32>} : memref<640xf32, #tpu.memory_space<vmem>>, vector<16xf32>,
    %broadcast_in_dim3A_268 = arith.constant 0.000000e+00 : f32
    %broadcast_in_dim3A_269 = vector.broadcast %broadcast_in_dim3A_268 : f32 to vector<16xf32>
    %swap3A_270 = arith.constant 544 : index
    %swap3A_271 = tpu.vector_load %arg6[%swap3A_270] {strides = array<i32>} : memref<640xf32, #tpu.memory_space<vmem>>, vector<16xf32>,
    %swap3A_272 = vector.shape_cast %swap3A_271 : vector<16xf32> to vector<16xf32>
    %swap3A_273 = vector.shape_cast %broadcast_in_dim3A_269 : vector<16xf32> to vector<16xf32>
    tpu.vector_store %arg6[%swap3A_270], %swap3A_273 {strides = array<i32>} : memref<640xf32, #tpu.memory_space<vmem>>, vector<16xf32>,
    %broadcast_in_dim3A_274 = arith.constant 0.000000e+00 : f32
    %broadcast_in_dim3A_275 = vector.broadcast %broadcast_in_dim3A_274 : f32 to vector<16xf32>
    %swap3A_276 = arith.constant 560 : index
    %swap3A_277 = tpu.vector_load %arg6[%swap3A_276] {strides = array<i32>} : memref<640xf32, #tpu.memory_space<vmem>>, vector<16xf32>,
    %swap3A_278 = vector.shape_cast %swap3A_277 : vector<16xf32> to vector<16xf32>
    %swap3A_279 = vector.shape_cast %broadcast_in_dim3A_275 : vector<16xf32> to vector<16xf32>
    tpu.vector_store %arg6[%swap3A_276], %swap3A_279 {strides = array<i32>} : memref<640xf32, #tpu.memory_space<vmem>>, vector<16xf32>,
    %broadcast_in_dim3A_280 = arith.constant 0.000000e+00 : f32
    %broadcast_in_dim3A_281 = vector.broadcast %broadcast_in_dim3A_280 : f32 to vector<16xf32>
    %swap3A_282 = arith.constant 576 : index
    %swap3A_283 = tpu.vector_load %arg6[%swap3A_282] {strides = array<i32>} : memref<640xf32, #tpu.memory_space<vmem>>, vector<16xf32>,
    %swap3A_284 = vector.shape_cast %swap3A_283 : vector<16xf32> to vector<16xf32>
    %swap3A_285 = vector.shape_cast %broadcast_in_dim3A_281 : vector<16xf32> to vector<16xf32>
    tpu.vector_store %arg6[%swap3A_282], %swap3A_285 {strides = array<i32>} : memref<640xf32, #tpu.memory_space<vmem>>, vector<16xf32>,
    %broadcast_in_dim3A_286 = arith.constant 0.000000e+00 : f32
    %broadcast_in_dim3A_287 = vector.broadcast %broadcast_in_dim3A_286 : f32 to vector<16xf32>
    %swap3A_288 = arith.constant 592 : index
    %swap3A_289 = tpu.vector_load %arg6[%swap3A_288] {strides = array<i32>} : memref<640xf32, #tpu.memory_space<vmem>>, vector<16xf32>,
    %swap3A_290 = vector.shape_cast %swap3A_289 : vector<16xf32> to vector<16xf32>
    %swap3A_291 = vector.shape_cast %broadcast_in_dim3A_287 : vector<16xf32> to vector<16xf32>
    tpu.vector_store %arg6[%swap3A_288], %swap3A_291 {strides = array<i32>} : memref<640xf32, #tpu.memory_space<vmem>>, vector<16xf32>,
    %broadcast_in_dim3A_292 = arith.constant 0.000000e+00 : f32
    %broadcast_in_dim3A_293 = vector.broadcast %broadcast_in_dim3A_292 : f32 to vector<16xf32>
    %swap3A_294 = arith.constant 608 : index
    %swap3A_295 = tpu.vector_load %arg6[%swap3A_294] {strides = array<i32>} : memref<640xf32, #tpu.memory_space<vmem>>, vector<16xf32>,
    %swap3A_296 = vector.shape_cast %swap3A_295 : vector<16xf32> to vector<16xf32>
    %swap3A_297 = vector.shape_cast %broadcast_in_dim3A_293 : vector<16xf32> to vector<16xf32>
    tpu.vector_store %arg6[%swap3A_294], %swap3A_297 {strides = array<i32>} : memref<640xf32, #tpu.memory_space<vmem>>, vector<16xf32>,
    %broadcast_in_dim3A_298 = arith.constant 0.000000e+00 : f32
    %broadcast_in_dim3A_299 = vector.broadcast %broadcast_in_dim3A_298 : f32 to vector<16xf32>
    %swap3A_300 = arith.constant 624 : index
    %swap3A_301 = tpu.vector_load %arg6[%swap3A_300] {strides = array<i32>} : memref<640xf32, #tpu.memory_space<vmem>>, vector<16xf32>,
    %swap3A_302 = vector.shape_cast %swap3A_301 : vector<16xf32> to vector<16xf32>
    %swap3A_303 = vector.shape_cast %broadcast_in_dim3A_299 : vector<16xf32> to vector<16xf32>
    tpu.vector_store %arg6[%swap3A_300], %swap3A_303 {strides = array<i32>} : memref<640xf32, #tpu.memory_space<vmem>>, vector<16xf32>,
    %mul3A_304 = arith.constant 640 : i32
    %mul3A_305 = arith.muli %arg1, %mul3A_304 : i32
    "tpu.region"() ({
      %run_scoped3A = tpu.sem_alloc : memref<!tpu.dma_semaphore, #tpu.memory_space<semaphore_mem>>
      %dma_start3A_347 = tpu.memref_slice %arg7[%mul3A_305] : memref<10240xf32, #tpu.memory_space<vmem_shared>> -> memref<640xf32, #tpu.memory_space<vmem_shared>>
      %dma_start3A_348 = tpu.memref_slice %arg7[%mul3A_305] : memref<10240xf32, #tpu.memory_space<vmem_shared>> -> memref<640xf32, #tpu.memory_space<vmem_shared>>
      tpu.enqueue_dma source(%arg6 : memref<640xf32, #tpu.memory_space<vmem>>) target(%dma_start3A_348 : memref<640xf32, #tpu.memory_space<vmem_shared>>) target_semaphore(%run_scoped3A : memref<!tpu.dma_semaphore, #tpu.memory_space<semaphore_mem>>)
      %dma_wait3A_349 = tpu.memref_slice %arg7[%mul3A_305] : memref<10240xf32, #tpu.memory_space<vmem_shared>> -> memref<640xf32, #tpu.memory_space<vmem_shared>>
      %dma_wait3A_350 = tpu.memref_slice %arg7[%mul3A_305] : memref<10240xf32, #tpu.memory_space<vmem_shared>> -> memref<640xf32, #tpu.memory_space<vmem_shared>>
      tpu.wait_dma2 semaphore(%run_scoped3A : memref<!tpu.dma_semaphore, #tpu.memory_space<semaphore_mem>>) src(%arg6 : memref<640xf32, #tpu.memory_space<vmem>>) dst(%dma_wait3A_350 : memref<640xf32, #tpu.memory_space<vmem_shared>>)
      tpu.yield
    }) : () -> ()
    %barrier3A = arith.constant 0 : index
    tpu.barrier barrier_id(%barrier3A)
    %dma_wait3A = arith.constant 0 : i32
    %dma_wait3A_306 = arith.constant 0 : i32
    %dma_wait3A_307 = tpu.memref_slice %arg4[%dma_wait3A, %dma_wait3A_306] : memref<2x10112xi32, #tpu.memory_space<vmem>> -> memref<2x9984xi32, #tpu.memory_space<vmem>>
    %dma_wait3A_308 = arith.constant 0 : i32
    %dma_wait3A_309 = tpu.memref_slice %arg2[%dma_wait3A_308, %multiple_of3A] : memref<2x320000xi32, #tpu.memory_space<hbm>> -> memref<2x9984xi32, #tpu.memory_space<hbm>>
    %dma_wait3A_310 = arith.constant 0 : i32
    %dma_wait3A_311 = arith.constant 0 : i32
    %dma_wait3A_312 = tpu.memref_slice %arg4[%dma_wait3A_310, %dma_wait3A_311] : memref<2x10112xi32, #tpu.memory_space<vmem>> -> memref<2x9984xi32, #tpu.memory_space<vmem>>
    %dma_wait3A_313 = arith.constant 0 : i32
    %dma_wait3A_314 = tpu.memref_slice %arg2[%dma_wait3A_313, %multiple_of3A] : memref<2x320000xi32, #tpu.memory_space<hbm>> -> memref<2x9984xi32, #tpu.memory_space<hbm>>
    tpu.wait_dma2 semaphore(%arg9 : memref<!tpu.dma_semaphore, #tpu.memory_space<semaphore_mem>>) src(%dma_wait3A_314 : memref<2x9984xi32, #tpu.memory_space<hbm>>) dst(%dma_wait3A_312 : memref<2x9984xi32, #tpu.memory_space<vmem>>)
    %scan3A = arith.constant 0 : i32
    %scan3A_315 = arith.constant 0 : i32
    %scan3A_316 = arith.constant 13 : i32
    %scan3A_317 = arith.addi %scan3A_315, %scan3A_316 : i32
    %scan3A_318 = arith.constant 1 : i32
    scf.for %scan3A_347 = %scan3A_315 to %scan3A_317 step %scan3A_318  : i32 {
      %mul3A_348 = arith.constant 6 : i32
      %mul3A_349 = arith.muli %scan3A_347, %mul3A_348 : i32
      %add3A_350 = arith.constant 0 : i32
      %add3A_351 = arith.addi %mul3A_349, %add3A_350 : i32
      %mul3A_352 = arith.constant 128 : i32
      %mul3A_353 = arith.muli %add3A_351, %mul3A_352 : i32
      %multiple_of3A_354 = tpu.assume_multiple %mul3A_353, 128 : i32
      %dma_start3A_355 = arith.constant 1 : i32
      %dma_start3A_356 = tpu.memref_slice %arg4[%dma_start3A_355, %multiple_of3A_354] : memref<2x10112xi32, #tpu.memory_space<vmem>> -> memref<1x128xi32, #tpu.memory_space<vmem>>
      %dma_start3A_357 = tpu.memref_squeeze %dma_start3A_356 : memref<1x128xi32, #tpu.memory_space<vmem>> -> memref<128xi32, #tpu.memory_space<vmem>>
      %dma_start3A_358 = arith.constant 0 : i32
      %dma_start3A_359 = tpu.memref_slice %arg7[%dma_start3A_358] : memref<10240xf32, #tpu.memory_space<vmem_shared>> -> memref<10240xf32, #tpu.memory_space<vmem_shared>>
      tpu.enqueue_indirect_dma source(%arg5 : memref<128xf32, #tpu.memory_space<vmem>>) target(%dma_start3A_359 : memref<10240xf32, #tpu.memory_space<vmem_shared>>) offsets(%dma_start3A_357 : memref<128xi32, #tpu.memory_space<vmem>>) semaphore(%arg8 : memref<!tpu.dma_semaphore, #tpu.memory_space<semaphore_mem>>) {add = true}
      %mul3A_360 = arith.constant 6 : i32
      %mul3A_361 = arith.muli %scan3A_347, %mul3A_360 : i32
      %add3A_362 = arith.constant 1 : i32
      %add3A_363 = arith.addi %mul3A_361, %add3A_362 : i32
      %mul3A_364 = arith.constant 128 : i32
      %mul3A_365 = arith.muli %add3A_363, %mul3A_364 : i32
      %multiple_of3A_366 = tpu.assume_multiple %mul3A_365, 128 : i32
      %dma_start3A_367 = arith.constant 1 : i32
      %dma_start3A_368 = tpu.memref_slice %arg4[%dma_start3A_367, %multiple_of3A_366] : memref<2x10112xi32, #tpu.memory_space<vmem>> -> memref<1x128xi32, #tpu.memory_space<vmem>>
      %dma_start3A_369 = tpu.memref_squeeze %dma_start3A_368 : memref<1x128xi32, #tpu.memory_space<vmem>> -> memref<128xi32, #tpu.memory_space<vmem>>
      %dma_start3A_370 = arith.constant 0 : i32
      %dma_start3A_371 = tpu.memref_slice %arg7[%dma_start3A_370] : memref<10240xf32, #tpu.memory_space<vmem_shared>> -> memref<10240xf32, #tpu.memory_space<vmem_shared>>
      tpu.enqueue_indirect_dma source(%arg5 : memref<128xf32, #tpu.memory_space<vmem>>) target(%dma_start3A_371 : memref<10240xf32, #tpu.memory_space<vmem_shared>>) offsets(%dma_start3A_369 : memref<128xi32, #tpu.memory_space<vmem>>) semaphore(%arg8 : memref<!tpu.dma_semaphore, #tpu.memory_space<semaphore_mem>>) {add = true}
      %mul3A_372 = arith.constant 6 : i32
      %mul3A_373 = arith.muli %scan3A_347, %mul3A_372 : i32
      %add3A_374 = arith.constant 2 : i32
      %add3A_375 = arith.addi %mul3A_373, %add3A_374 : i32
      %mul3A_376 = arith.constant 128 : i32
      %mul3A_377 = arith.muli %add3A_375, %mul3A_376 : i32
      %multiple_of3A_378 = tpu.assume_multiple %mul3A_377, 128 : i32
      %dma_start3A_379 = arith.constant 1 : i32
      %dma_start3A_380 = tpu.memref_slice %arg4[%dma_start3A_379, %multiple_of3A_378] : memref<2x10112xi32, #tpu.memory_space<vmem>> -> memref<1x128xi32, #tpu.memory_space<vmem>>
      %dma_start3A_381 = tpu.memref_squeeze %dma_start3A_380 : memref<1x128xi32, #tpu.memory_space<vmem>> -> memref<128xi32, #tpu.memory_space<vmem>>
      %dma_start3A_382 = arith.constant 0 : i32
      %dma_start3A_383 = tpu.memref_slice %arg7[%dma_start3A_382] : memref<10240xf32, #tpu.memory_space<vmem_shared>> -> memref<10240xf32, #tpu.memory_space<vmem_shared>>
      tpu.enqueue_indirect_dma source(%arg5 : memref<128xf32, #tpu.memory_space<vmem>>) target(%dma_start3A_383 : memref<10240xf32, #tpu.memory_space<vmem_shared>>) offsets(%dma_start3A_381 : memref<128xi32, #tpu.memory_space<vmem>>) semaphore(%arg8 : memref<!tpu.dma_semaphore, #tpu.memory_space<semaphore_mem>>) {add = true}
      %mul3A_384 = arith.constant 6 : i32
      %mul3A_385 = arith.muli %scan3A_347, %mul3A_384 : i32
      %add3A_386 = arith.constant 3 : i32
      %add3A_387 = arith.addi %mul3A_385, %add3A_386 : i32
      %mul3A_388 = arith.constant 128 : i32
      %mul3A_389 = arith.muli %add3A_387, %mul3A_388 : i32
      %multiple_of3A_390 = tpu.assume_multiple %mul3A_389, 128 : i32
      %dma_start3A_391 = arith.constant 1 : i32
      %dma_start3A_392 = tpu.memref_slice %arg4[%dma_start3A_391, %multiple_of3A_390] : memref<2x10112xi32, #tpu.memory_space<vmem>> -> memref<1x128xi32, #tpu.memory_space<vmem>>
      %dma_start3A_393 = tpu.memref_squeeze %dma_start3A_392 : memref<1x128xi32, #tpu.memory_space<vmem>> -> memref<128xi32, #tpu.memory_space<vmem>>
      %dma_start3A_394 = arith.constant 0 : i32
      %dma_start3A_395 = tpu.memref_slice %arg7[%dma_start3A_394] : memref<10240xf32, #tpu.memory_space<vmem_shared>> -> memref<10240xf32, #tpu.memory_space<vmem_shared>>
      tpu.enqueue_indirect_dma source(%arg5 : memref<128xf32, #tpu.memory_space<vmem>>) target(%dma_start3A_395 : memref<10240xf32, #tpu.memory_space<vmem_shared>>) offsets(%dma_start3A_393 : memref<128xi32, #tpu.memory_space<vmem>>) semaphore(%arg8 : memref<!tpu.dma_semaphore, #tpu.memory_space<semaphore_mem>>) {add = true}
      %mul3A_396 = arith.constant 6 : i32
      %mul3A_397 = arith.muli %scan3A_347, %mul3A_396 : i32
      %add3A_398 = arith.constant 4 : i32
      %add3A_399 = arith.addi %mul3A_397, %add3A_398 : i32
      %mul3A_400 = arith.constant 128 : i32
      %mul3A_401 = arith.muli %add3A_399, %mul3A_400 : i32
      %multiple_of3A_402 = tpu.assume_multiple %mul3A_401, 128 : i32
      %dma_start3A_403 = arith.constant 1 : i32
      %dma_start3A_404 = tpu.memref_slice %arg4[%dma_start3A_403, %multiple_of3A_402] : memref<2x10112xi32, #tpu.memory_space<vmem>> -> memref<1x128xi32, #tpu.memory_space<vmem>>
      %dma_start3A_405 = tpu.memref_squeeze %dma_start3A_404 : memref<1x128xi32, #tpu.memory_space<vmem>> -> memref<128xi32, #tpu.memory_space<vmem>>
      %dma_start3A_406 = arith.constant 0 : i32
      %dma_start3A_407 = tpu.memref_slice %arg7[%dma_start3A_406] : memref<10240xf32, #tpu.memory_space<vmem_shared>> -> memref<10240xf32, #tpu.memory_space<vmem_shared>>
      tpu.enqueue_indirect_dma source(%arg5 : memref<128xf32, #tpu.memory_space<vmem>>) target(%dma_start3A_407 : memref<10240xf32, #tpu.memory_space<vmem_shared>>) offsets(%dma_start3A_405 : memref<128xi32, #tpu.memory_space<vmem>>) semaphore(%arg8 : memref<!tpu.dma_semaphore, #tpu.memory_space<semaphore_mem>>) {add = true}
      %mul3A_408 = arith.constant 6 : i32
      %mul3A_409 = arith.muli %scan3A_347, %mul3A_408 : i32
      %add3A_410 = arith.constant 5 : i32
      %add3A_411 = arith.addi %mul3A_409, %add3A_410 : i32
      %mul3A_412 = arith.constant 128 : i32
      %mul3A_413 = arith.muli %add3A_411, %mul3A_412 : i32
      %multiple_of3A_414 = tpu.assume_multiple %mul3A_413, 128 : i32
      %dma_start3A_415 = arith.constant 1 : i32
      %dma_start3A_416 = tpu.memref_slice %arg4[%dma_start3A_415, %multiple_of3A_414] : memref<2x10112xi32, #tpu.memory_space<vmem>> -> memref<1x128xi32, #tpu.memory_space<vmem>>
      %dma_start3A_417 = tpu.memref_squeeze %dma_start3A_416 : memref<1x128xi32, #tpu.memory_space<vmem>> -> memref<128xi32, #tpu.memory_space<vmem>>
      %dma_start3A_418 = arith.constant 0 : i32
      %dma_start3A_419 = tpu.memref_slice %arg7[%dma_start3A_418] : memref<10240xf32, #tpu.memory_space<vmem_shared>> -> memref<10240xf32, #tpu.memory_space<vmem_shared>>
      tpu.enqueue_indirect_dma source(%arg5 : memref<128xf32, #tpu.memory_space<vmem>>) target(%dma_start3A_419 : memref<10240xf32, #tpu.memory_space<vmem_shared>>) offsets(%dma_start3A_417 : memref<128xi32, #tpu.memory_space<vmem>>) semaphore(%arg8 : memref<!tpu.dma_semaphore, #tpu.memory_space<semaphore_mem>>) {add = true}
    }
    %scan3A_319 = arith.constant 13 : i32
    %lt3A_320 = arith.constant 4 : i32
    %lt3A_321 = arith.cmpi slt, %add3A, %lt3A_320 : i32
    %convert_element_type3A_322 = arith.extui %lt3A_321 : i1 to i32
    %cond3A_323 = arith.constant 0 : i32
    %cond3A_324 = arith.cmpi ne, %convert_element_type3A_322, %cond3A_323 : i32
    scf.if %cond3A_324 {
      %run_scoped3A = arith.constant 1 : i32
      "tpu.region"() ({
        %run_scoped3A_347 = tpu.sem_alloc : memref<!tpu.dma_semaphore, #tpu.memory_space<semaphore_mem>>
        %dma_start3A_348 = arith.constant 9984 : i32
        %dma_start3A_349 = tpu.memref_slice %arg4[%run_scoped3A, %dma_start3A_348] : memref<2x10112xi32, #tpu.memory_space<vmem>> -> memref<1x128xi32, #tpu.memory_space<vmem>>
        %dma_start3A_350 = tpu.memref_squeeze %dma_start3A_349 : memref<1x128xi32, #tpu.memory_space<vmem>> -> memref<128xi32, #tpu.memory_space<vmem>>
        %dma_start3A_351 = arith.constant 0 : i32
        %dma_start3A_352 = tpu.memref_slice %arg7[%dma_start3A_351] : memref<10240xf32, #tpu.memory_space<vmem_shared>> -> memref<10240xf32, #tpu.memory_space<vmem_shared>>
        tpu.enqueue_indirect_dma source(%arg5 : memref<128xf32, #tpu.memory_space<vmem>>) target(%dma_start3A_352 : memref<10240xf32, #tpu.memory_space<vmem_shared>>) offsets(%dma_start3A_350 : memref<128xi32, #tpu.memory_space<vmem>>) semaphore(%run_scoped3A_347 : memref<!tpu.dma_semaphore, #tpu.memory_space<semaphore_mem>>) {add = true}
        %dma_wait3A_353 = arith.constant 9984 : i32
        %dma_wait3A_354 = tpu.memref_slice %arg4[%run_scoped3A, %dma_wait3A_353] : memref<2x10112xi32, #tpu.memory_space<vmem>> -> memref<1x128xi32, #tpu.memory_space<vmem>>
        %dma_wait3A_355 = tpu.memref_squeeze %dma_wait3A_354 : memref<1x128xi32, #tpu.memory_space<vmem>> -> memref<128xi32, #tpu.memory_space<vmem>>
        %dma_wait3A_356 = arith.constant 0 : i32
        %dma_wait3A_357 = tpu.memref_slice %arg7[%dma_wait3A_356] : memref<10240xf32, #tpu.memory_space<vmem_shared>> -> memref<10240xf32, #tpu.memory_space<vmem_shared>>
        tpu.wait_indirect_dma semaphore(%run_scoped3A_347 : memref<!tpu.dma_semaphore, #tpu.memory_space<semaphore_mem>>) src(%arg5 : memref<128xf32, #tpu.memory_space<vmem>>) dst(%dma_wait3A_357 : memref<10240xf32, #tpu.memory_space<vmem_shared>>)
        tpu.yield
      }) : () -> ()
    } else {
    }
    %dma_wait3A_325 = arith.constant 0 : i32
    %dma_wait3A_326 = arith.constant 0 : i32
    %dma_wait3A_327 = arith.constant 0 : i32
    %dma_wait3A_328 = tpu.memref_slice %arg4[%dma_wait3A_326, %dma_wait3A_327] : memref<2x10112xi32, #tpu.memory_space<vmem>> -> memref<1x9984xi32, #tpu.memory_space<vmem>>
    %dma_wait3A_329 = tpu.memref_squeeze %dma_wait3A_328 : memref<1x9984xi32, #tpu.memory_space<vmem>> -> memref<9984xi32, #tpu.memory_space<vmem>>
    %dma_wait3A_330 = arith.constant 0 : i32
    %dma_wait3A_331 = tpu.memref_slice %arg2[%dma_wait3A_325, %dma_wait3A_330] : memref<2x320000xi32, #tpu.memory_space<hbm>> -> memref<1x9984xi32, #tpu.memory_space<hbm>>
    %dma_wait3A_332 = tpu.memref_squeeze %dma_wait3A_331 : memref<1x9984xi32, #tpu.memory_space<hbm>> -> memref<9984xi32, #tpu.memory_space<hbm>>
    %dma_wait3A_333 = arith.constant 0 : i32
    %dma_wait3A_334 = tpu.memref_slice %arg4[%dma_wait3A_326, %dma_wait3A_333] : memref<2x10112xi32, #tpu.memory_space<vmem>> -> memref<1x9984xi32, #tpu.memory_space<vmem>>
    %dma_wait3A_335 = tpu.memref_squeeze %dma_wait3A_334 : memref<1x9984xi32, #tpu.memory_space<vmem>> -> memref<9984xi32, #tpu.memory_space<vmem>>
    %dma_wait3A_336 = arith.constant 0 : i32
    %dma_wait3A_337 = tpu.memref_slice %arg2[%dma_wait3A_325, %dma_wait3A_336] : memref<2x320000xi32, #tpu.memory_space<hbm>> -> memref<1x9984xi32, #tpu.memory_space<hbm>>
    %dma_wait3A_338 = tpu.memref_squeeze %dma_wait3A_337 : memref<1x9984xi32, #tpu.memory_space<hbm>> -> memref<9984xi32, #tpu.memory_space<hbm>>
    tpu.wait_dma2 semaphore(%arg8 : memref<!tpu.dma_semaphore, #tpu.memory_space<semaphore_mem>>) src(%dma_wait3A_338 : memref<9984xi32, #tpu.memory_space<hbm>>) dst(%dma_wait3A_335 : memref<9984xi32, #tpu.memory_space<vmem>>)
    %barrier3A_339 = arith.constant 0 : index
    tpu.barrier barrier_id(%barrier3A_339)
    %mul3A_340 = arith.constant 640 : i32
    %mul3A_341 = arith.muli %arg1, %mul3A_340 : i32
    "tpu.region"() ({
      %run_scoped3A = tpu.sem_alloc : memref<!tpu.dma_semaphore, #tpu.memory_space<semaphore_mem>>
      %dma_start3A_347 = tpu.memref_slice %arg7[%mul3A_341] : memref<10240xf32, #tpu.memory_space<vmem_shared>> -> memref<640xf32, #tpu.memory_space<vmem_shared>>
      %dma_start3A_348 = tpu.memref_slice %arg7[%mul3A_341] : memref<10240xf32, #tpu.memory_space<vmem_shared>> -> memref<640xf32, #tpu.memory_space<vmem_shared>>
      tpu.enqueue_dma source(%dma_start3A_348 : memref<640xf32, #tpu.memory_space<vmem_shared>>) target(%arg6 : memref<640xf32, #tpu.memory_space<vmem>>) target_semaphore(%run_scoped3A : memref<!tpu.dma_semaphore, #tpu.memory_space<semaphore_mem>>)
      %dma_wait3A_349 = tpu.memref_slice %arg7[%mul3A_341] : memref<10240xf32, #tpu.memory_space<vmem_shared>> -> memref<640xf32, #tpu.memory_space<vmem_shared>>
      %dma_wait3A_350 = tpu.memref_slice %arg7[%mul3A_341] : memref<10240xf32, #tpu.memory_space<vmem_shared>> -> memref<640xf32, #tpu.memory_space<vmem_shared>>
      tpu.wait_dma2 semaphore(%run_scoped3A : memref<!tpu.dma_semaphore, #tpu.memory_space<semaphore_mem>>) src(%dma_wait3A_350 : memref<640xf32, #tpu.memory_space<vmem_shared>>) dst(%arg6 : memref<640xf32, #tpu.memory_space<vmem>>)
      tpu.yield
    }) : () -> ()
    %mul3A_342 = arith.constant 10240 : i32
    %mul3A_343 = arith.muli %arg0, %mul3A_342 : i32
    %mul3A_344 = arith.constant 640 : i32
    %mul3A_345 = arith.muli %arg1, %mul3A_344 : i32
    %add3A_346 = arith.addi %mul3A_343, %mul3A_345 : i32
    "tpu.region"() ({
      %run_scoped3A = tpu.sem_alloc : memref<!tpu.dma_semaphore, #tpu.memory_space<semaphore_mem>>
      %dma_start3A_347 = tpu.memref_slice %arg3[%add3A_346] : memref<20480xf32, #tpu.memory_space<hbm>> -> memref<640xf32, #tpu.memory_space<hbm>>
      %dma_start3A_348 = tpu.memref_slice %arg3[%add3A_346] : memref<20480xf32, #tpu.memory_space<hbm>> -> memref<640xf32, #tpu.memory_space<hbm>>
      tpu.enqueue_dma source(%arg6 : memref<640xf32, #tpu.memory_space<vmem>>) target(%dma_start3A_348 : memref<640xf32, #tpu.memory_space<hbm>>) target_semaphore(%run_scoped3A : memref<!tpu.dma_semaphore, #tpu.memory_space<semaphore_mem>>)
      %dma_wait3A_349 = tpu.memref_slice %arg3[%add3A_346] : memref<20480xf32, #tpu.memory_space<hbm>> -> memref<640xf32, #tpu.memory_space<hbm>>
      %dma_wait3A_350 = tpu.memref_slice %arg3[%add3A_346] : memref<20480xf32, #tpu.memory_space<hbm>> -> memref<640xf32, #tpu.memory_space<hbm>>
      tpu.wait_dma2 semaphore(%run_scoped3A : memref<!tpu.dma_semaphore, #tpu.memory_space<semaphore_mem>>) src(%arg6 : memref<640xf32, #tpu.memory_space<vmem>>) dst(%dma_wait3A_350 : memref<640xf32, #tpu.memory_space<hbm>>)
      tpu.yield
    }) : () -> ()
    return
  }
}

module attributes {stable_mosaic.version = 14 : i64} {
  func.func @_tc_emb_body(%arg0: i32, %arg1: memref<10000x256xf32, #tpu.memory_space<hbm>>, %arg2: memref<5120xf32, #tpu.memory_space<vmem>>, %arg3: memref<5120xf32, #tpu.memory_space<vmem>>, %arg4: memref<128x128xf32, #tpu.memory_space<vmem>>, %arg5: memref<5120x128xf32, #tpu.memory_space<vmem>>) attributes {dimension_semantics = [#tpu.dimension_semantics<arbitrary>], iteration_bounds = array<i64: 2>, scalar_prefetch = 0 : i64, scratch_operands = 0 : i64, tpu.core_type = #tpu.core_type<tc>, window_params = [{}, {transform_indices = @transform_1, window_bounds = array<i64: 5120>}, {transform_indices = @transform_2, window_bounds = array<i64: 5120>}, {pipeline_mode = #tpu.pipeline_mode<synchronous>, transform_indices = @transform_3, window_bounds = array<i64: 128, 128>}, {transform_indices = @transform_4, window_bounds = array<i64: 5120, 128>}]} {
    %get3A = arith.constant 0 : index
    %get3A_0 = vector.load %arg2[%get3A] : memref<5120xf32, #tpu.memory_space<vmem>>, vector<5120xf32>
    %get3A_1 = arith.constant 0 : index
    %get3A_2 = vector.load %arg3[%get3A_1] : memref<5120xf32, #tpu.memory_space<vmem>>, vector<5120xf32>
    %add3A = arith.addf %get3A_0, %get3A_2 : vector<5120xf32>
    %reshape3A = vector.shape_cast %add3A : vector<5120xf32> to vector<1x5120xf32>
    %convert_element_type3A = arith.fptosi %reshape3A : vector<1x5120xf32> to vector<1x5120xi32>
    %min3A = arith.constant 127 : i32
    %min3A_3 = vector.broadcast %min3A : i32 to vector<1x5120xi32>
    %min3A_4 = arith.minsi %convert_element_type3A, %min3A_3 : vector<1x5120xi32>
    %iota3A = tpu.iota {dimensions = array<i32: 0>} : vector<128x5120xi32>
    %eq3A = vector.broadcast %min3A_4 : vector<1x5120xi32> to vector<128x5120xi32>
    %eq3A_5 = arith.cmpi eq, %iota3A, %eq3A : vector<128x5120xi32>
    %convert_element_type3A_6 = arith.extui %eq3A_5 : vector<128x5120xi1> to vector<128x5120xi32>
    %convert_element_type3A_7 = arith.sitofp %convert_element_type3A_6 : vector<128x5120xi32> to vector<128x5120xf32>
    %get3A_8 = arith.constant 0 : index
    %get3A_9 = arith.constant 0 : index
    %get3A_10 = vector.load %arg4[%get3A_8, %get3A_9] : memref<128x128xf32, #tpu.memory_space<vmem>>, vector<128x128xf32>
    %dot_general3A = arith.constant dense<0.000000e+00> : vector<5120x128xf32>
    %dot_general3A_11 = tpu.matmul %convert_element_type3A_7, %get3A_10, %dot_general3A {dimension_numbers = #tpu.dot_dimension_numbers<[0], [0], [1], [1], [0, 1, 1, 1], [], []>, transpose_lhs_hint = false} : vector<128x5120xf32>, vector<128x128xf32>, vector<5120x128xf32> -> vector<5120x128xf32>
    %swap3A = arith.constant 0 : index
    %swap3A_12 = arith.constant 0 : index
    %swap3A_13 = vector.load %arg5[%swap3A, %swap3A_12] : memref<5120x128xf32, #tpu.memory_space<vmem>>, vector<5120x128xf32>
    tpu.vector_store %arg5[%swap3A, %swap3A_12], %dot_general3A_11 {strides = array<i32>} : memref<5120x128xf32, #tpu.memory_space<vmem>>, vector<5120x128xf32>,
    return
  }
  func.func @transform_1(%arg0: i32) -> i32 {
    %c0_i32 = arith.constant 0 : i32
    return %arg0 : i32
  }
  func.func @transform_2(%arg0: i32) -> i32 {
    %add3A = arith.constant 2 : i32
    %add3A_0 = arith.addi %arg0, %add3A : i32
    %c0_i32 = arith.constant 0 : i32
    return %add3A_0 : i32
  }
  func.func @transform_3(%arg0: i32) -> (i32, i32) {
    %c0_i32 = arith.constant 0 : i32
    %c0_i32_0 = arith.constant 0 : i32
    %c0_i32_1 = arith.constant 0 : i32
    return %c0_i32, %c0_i32_0 : i32, i32
  }
  func.func @transform_4(%arg0: i32) -> (i32, i32) {
    %c1_i32 = arith.constant 1 : i32
    %c0_i32 = arith.constant 0 : i32
    return %arg0, %c1_i32 : i32, i32
  }
}

module attributes {stable_mosaic.version = 14 : i64} {
  func.func @_tc_copy_body(%arg0: i32, %arg1: memref<1024x128xf32, #tpu.memory_space<vmem>>, %arg2: memref<1024x128xf32, #tpu.memory_space<vmem>>) attributes {dimension_semantics = [#tpu.dimension_semantics<arbitrary>], iteration_bounds = array<i64: 10>, scalar_prefetch = 0 : i64, scratch_operands = 0 : i64, tpu.core_type = #tpu.core_type<tc>, window_params = [{transform_indices = @transform_0, window_bounds = array<i64: 1024, 128>}, {transform_indices = @transform_1, window_bounds = array<i64: 1024, 128>}]} {
    %get3A = arith.constant 0 : index
    %get3A_0 = arith.constant 0 : index
    %get3A_1 = vector.load %arg1[%get3A, %get3A_0] : memref<1024x128xf32, #tpu.memory_space<vmem>>, vector<1024x128xf32>
    %swap3A = arith.constant 0 : index
    %swap3A_2 = arith.constant 0 : index
    %swap3A_3 = vector.load %arg2[%swap3A, %swap3A_2] : memref<1024x128xf32, #tpu.memory_space<vmem>>, vector<1024x128xf32>
    tpu.vector_store %arg2[%swap3A, %swap3A_2], %get3A_1 {strides = array<i32>} : memref<1024x128xf32, #tpu.memory_space<vmem>>, vector<1024x128xf32>,
    return
  }
  func.func @transform_0(%arg0: i32) -> (i32, i32) {
    %c0_i32 = arith.constant 0 : i32
    %c0_i32_0 = arith.constant 0 : i32
    return %arg0, %c0_i32 : i32, i32
  }
  func.func @transform_1(%arg0: i32) -> (i32, i32) {
    %c0_i32 = arith.constant 0 : i32
    %c0_i32_0 = arith.constant 0 : i32
    return %arg0, %c0_i32 : i32, i32
  }
}

</mosaic_0001>

<sc_bundles>
// kernel: kernel.5.cloned.1.call-start
scs
__scs_entry_jumppad:
0x0: {  	(pc) =	sbr.rel $0x88, $3  }
0x1: {  	(tag) =	ssettag $0x0;
	lr =	simm.s32 $0x1  }
0x2: {  	[smem:$0x3F9E] =	sst lr;
	_ =	strace $0xD0000000  }
0x3: {  	_ = 	snop  }
0x4: {  	_ = 	snop  }
0x5: {  	_ = 	snop  }
0x6: {  	_ = 	snop  }
0x7: {  	_ = 	snop  }
__scs_overlays_trampoline_lowered:
0x8: {  	[smem:$0x3FAD] =	sst s0  }
0x9: {  	[smem:$0x3FAE] =	sst s1  }
0xa: {  	[smem:$0x3FAF] =	sst s2  }
0xb: {  	[smem:$0x3FB0] =	sst s3  }
0xc: {  	[smem:$0x3FB1] =	sst s4  }
0xd: {  	[smem:$0x3FB2] =	sst s5  }
0xe: {  	[smem:$0x3FB3] =	sst s6  }
0xf: {  	[smem:$0x3FB4] =	sst s7  }
0x10: {  	[smem:$0x3FB5] =	sst s8  }
0x11: {  	[smem:$0x3FB6] =	sst s9;
	s0 =	simm.s32 @!p0 $0x0  }
0x12: {  	s1 =	sld [smem:$0x3F9C];
	s0 =	simm.s32 @p0 $0x1  }
0x13: {  	[smem:$0x3FB7] =	sst s0;
	s0 =	simm.s32 @!p1 $0x0  }
0x14: {  	s2 =	sld [smem:$0x3F9B];
	s0 =	simm.s32 @p1 $0x1  }
0x15: {  	[smem:$0x3FB8] =	sst s0;
	s0 =	simm.s32 @!p2 $0x0  }
0x16: {  	s3 =	sld [smem:$0x3FDB];
	s0 =	simm.s32 @p2 $0x1  }
0x17: {  	s4 =	simm.s32 $0x1BF5;
	[smem:$0x3FBA] =	sst s0  }
0x18: {  	s0 =	sld [smem:$0x3F9D];
	_ =	swait.ge [sflag:s4], $0x0  }
0x19: {  	s7 =	sld [smem:$0x3F9E]  }
0x1a: {  	s8 =	sadd.s32 $0xFFFFE003, lr  }
0x1b: {  	s9 =	sadd.s32 $0xFFFFFEF7, lr;
	s5 =	simm.s32 $0xFFFFFFFF;
	p2 =	slt.u32 s8, $0xFFFFF086  }
0x1c: {  	p1 =	slt.u32 s9, $0xF7A;
	s5 =	simm.s32 @!p2 $0x0  }
0x1d: {  	s5 =	simm.s32 @p1 $0x1;
	p0 =	seq.s32 s7, s2  }
0x1e: {  	s7 =	smul.u32 @!p0 $0xF7A, s2;
	p2 =	seq.s32 @!p0 s5, $0x0  }
0x1f: {  	s9 =	smul.u32 $0xF7A, s1;
	s8 =	simm.s32 @!p0 $0x1BF5;
	p2 =	por !p2, p0  }
0x20: {  	[sflag:s8] =	ssyncset.s32 @!p0 $0xFFFFF086;
	s6 =	sadd.s32 @!p0 s3, s7;
	s7 =	simm.s32 @!p0 $0x108  }
0x21: {  	s3 =	sadd.s32 s3, s9;
	s6 =	sadd.s32 @!p0 $0x88, s6;
	s7 =	simm.s32 @p2 $0x1082  }
0x22: {  	[simem:s7], [sflag:s8] =	dma.local @!p0 [hbm:s6], $0xF7A  }
0x23: {  	s9 =	sor.u32 $0xD0000000, s2;
	s6 =	simm.s32 $0x108;
	_ =	swait.ge @!p0 [sflag:s8], $0x0  }
0x24: {  	s3 =	sadd.s32 $0x88, s3;
	s6 =	simm.s32 @!p1 $0x1082;
	[sflag:s4] =	ssyncset.s32 $0xFFFFF086  }
0x25: {  	[simem:s6], [sflag:s4] =	dma.local [hbm:s3], $0xF7A  }
0x26: {  	[smem:$0x3F9E] =	sst s1;
	(tag) =	ssettag s2;
	_ =	strace s9  }
0x27: {  	s1 =	sld [smem:$0x3FAE]  }
0x28: {  	s2 =	sld [smem:$0x3FAF]  }
0x29: {  	s4 =	sld [smem:$0x3FB1]  }
0x2a: {  	p0 =	seq.s32 s5, $0x0;
	s5 =	sld [smem:$0x3FB2]  }
0x2b: {  	s6 =	sld [smem:$0x3FB3]  }
0x2c: {  	s7 =	sld [smem:$0x3FB4]  }
0x2d: {  	s3 =	simm.s32 $0x108;
	s8 =	sld [smem:$0x3FB5]  }
0x2e: {  	s3 =	simm.s32 @!p0 $0x1082;
	s9 =	sld [smem:$0x3FB6]  }
0x2f: {  	lr =	sadd.s32 s0, s3;
	s0 =	sld [smem:$0x3FAD]  }
0x30: {  	s3 =	sld [smem:$0x3FB0]  }
0x31: {  	[smem:$0x3FB9] =	sst s10  }
0x32: {  	s10 =	sld [smem:$0x3FB7];
	_ =	sdelay $0x3  }
0x33: {  	p0 =	seq.s32 s10, $0x1;
	s10 =	sld [smem:$0x3FB9];
	_ =	sdelay $0x3  }
0x34: {  	[smem:$0x3FB9] =	sst s10  }
0x35: {  	s10 =	sld [smem:$0x3FB8];
	_ =	sdelay $0x3  }
0x36: {  	p1 =	seq.s32 s10, $0x1;
	s10 =	sld [smem:$0x3FB9];
	_ =	sdelay $0x3  }
0x37: {  	[smem:$0x3FB9] =	sst s10  }
0x38: {  	s10 =	sld [smem:$0x3FBA]  }
0x39: {  	_ = 	snop;
	(pc) =	sbr.ind lr, $3  }
0x3a: {  	_ = 	snop  }
0x3b: {  	_ = 	snop  }
0x3c: {  	p2 =	seq.s32 s10, $0x1;
	s10 =	sld [smem:$0x3FB9]  }
0x3d: {  	_ =	shalt  }
0x3e: {  	_ =	shalt  }
0x3f: {  	_ =	shalt  }
0x40: {  	_ =	shalt  }
0x41: {  	_ =	shalt  }
0x42: {  	_ =	shalt  }
0x43: {  	_ =	shalt  }
0x44: {  	_ =	shalt  }
0x45: {  	_ =	shalt  }
0x46: {  	_ =	shalt  }
0x47: {  	_ =	shalt  }
0x48: {  	_ =	shalt  }
0x49: {  	_ =	shalt  }
0x4a: {  	_ =	shalt  }
0x4b: {  	_ =	shalt  }
0x4c: {  	_ =	shalt  }
0x4d: {  	_ =	shalt  }
0x4e: {  	_ =	shalt  }
0x4f: {  	_ =	shalt  }
0x50: {  	_ =	shalt  }
0x51: {  	_ =	shalt  }
0x52: {  	_ =	shalt  }
0x53: {  	_ =	shalt  }
0x54: {  	_ =	shalt  }
0x55: {  	_ =	shalt  }
0x56: {  	_ =	shalt  }
0x57: {  	_ =	shalt  }
0x58: {  	_ =	shalt  }
0x59: {  	_ =	shalt  }
0x5a: {  	_ =	shalt  }
0x5b: {  	_ =	shalt  }
0x5c: {  	_ =	shalt  }
0x5d: {  	_ =	shalt  }
0x5e: {  	_ =	shalt  }
0x5f: {  	_ =	shalt  }
0x60: {  	_ =	shalt  }
0x61: {  	_ =	shalt  }
0x62: {  	_ =	shalt  }
0x63: {  	_ =	shalt  }
0x64: {  	_ =	shalt  }
0x65: {  	_ =	shalt  }
0x66: {  	_ =	shalt  }
0x67: {  	_ =	shalt  }
0x68: {  	_ =	shalt  }
0x69: {  	_ =	shalt  }
0x6a: {  	_ =	shalt  }
0x6b: {  	_ =	shalt  }
0x6c: {  	_ =	shalt  }
0x6d: {  	_ =	shalt  }
0x6e: {  	_ =	shalt  }
0x6f: {  	_ =	shalt  }
0x70: {  	_ =	shalt  }
0x71: {  	_ =	shalt  }
0x72: {  	_ =	shalt  }
0x73: {  	_ =	shalt  }
0x74: {  	_ =	shalt  }
0x75: {  	_ =	shalt  }
0x76: {  	_ =	shalt  }
0x77: {  	_ =	shalt  }
0x78: {  	_ =	shalt  }
0x79: {  	_ =	shalt  }
0x7a: {  	_ =	shalt  }
0x7b: {  	_ =	shalt  }
0x7c: {  	_ =	shalt  }
0x7d: {  	_ =	shalt  }
0x7e: {  	_ =	shalt  }
0x7f: {  	_ =	shalt  }
0x80: {  	_ =	shalt  }
0x81: {  	_ =	shalt  }
0x82: {  	_ =	shalt  }
0x83: {  	_ =	shalt  }
0x84: {  	_ =	shalt  }
0x85: {  	_ =	shalt  }
0x86: {  	_ =	shalt  }
0x87: {  	_ =	shalt  }
.Lfunc_end0:
.L_simem_size_0:
called_computation_lowered:
.L_overlay_start_0:
0x88: {  	s2 =	sld [smem:$0x3FD9]  }
0x89: {  	s3 =	sld [smem:$0x3FFE];
	_ =	sdelay $0x1  }
0x8a: {  	s1 =	srdreg.scid  }
0x8b: {  	s0 =	sand.u32 $0x1, s1  }
0x8c: {  	s17 =	sshll.u32 s0, $0xA;
	s2 =	sadd.s32 s3, s2  }
0x8d: {  	s2 =	sadd.s32 s2, s17  }
0x8e: {  	[smem:$0x3FC5] =	sst s2  }
0x8f: {  	_ = 	snop  }
0x90: {  	s2 =	sld [smem:$0x3FC8];
	(tm) =	ssettm $0x1  }
0x91: {  	s18 =	sld [smem:$0x3FFB];
	_ =	sdelay $0x3  }
0x92: {  	_ =	strace s18  }
0x93: {  	s3 =	sld [smem:$0x3FFC];
	_ =	sdelay $0x3  }
0x94: {  	_ =	strace s3  }
0x95: {  	s3 =	sld [smem:$0x3FFD];
	_ =	sdelay $0x3  }
0x96: {  	_ =	strace s3  }
0x97: {  	_ =	strace $0x8FFFFFFF  }
0x98: {  	s19 =	sld [smem:$0x3FDB];
	_ =	sdelay $0x1  }
0x99: {  	s4 =	simm.s32 $_scs_section_size  }
0x9a: {  	s5 =	simm.s32 $_size__tile_overlayer_lowered;
	s6 =	simm.s32 $_tile_overlayer_lowered  }
0x9b: {  	s22 =	simm.s32 $0x1BFF;
	s21 =	sshll.u32 s6, $0x1;
	s3 =	sadd.s32 s4, s19  }
0x9c: {  	s7 =	simm.s32 $0x0;
	s20 =	sshll.u32 s5, $0x1;
	s5 =	sadd.s32 s21, s3  }
0x9d: {  	[timem:s7], [sflag:s22] =	dma.local [hbm:s5], s20  }
0x9e: {  	_ =	swait.ge [sflag:s22], s20  }
0x9f: {  	s4 =	ssub.s32 $0x0, s20;
	[sflag:s22] =	ssyncset.done $0x0  }
0xa0: {  	[sflag:s22] =	ssyncadd.s32 s4;
	_ =	sdelay $0x1  }
0xa1: {  	s23 =	simm.s32 $0x1B8B  }
0xa2: {  	_ =	swait.ge [sflag:s23], $0x1  }
0xa3: {  	[sflag:s23] =	ssyncset.done $0x0  }
0xa4: {  	s25 =	simm.s32 $0x1B8E;
	s24 =	sld [smem:$0x3FFE];
	[sflag:s23] =	ssyncadd.s32 $0xFFFFFFFF  }
0xa5: {  	s26 =	simm.s32 $execute0_lowered;
	[smem:$0x3FD2] =	sst s25  }
0xa6: {  	s5 =	sshll.u32 s26, $0x1;
	_ =	strace $0x80000046;
	[dreg:$0x1] =	wrdreg $0xFFFFFFFF  }
0xa7: {  	s28 =	simm.s32 $_size_execute0_lowered;
	s3 =	sadd.s32 s3, s5;
	[dreg:$0x0] =	wrdreg $0x0  }
0xa8: {  	s5 =	sshll.u32 s28, $0x1;
	[dreg:$0x2] =	wrdreg s3  }
0xa9: {  	[dreg:$0x3] =	wrdreg s5  }
0xaa: {  	[dreg:$0x4] =	wrdreg $0xC0  }
0xab: {  	_ =	task [dreg:s7], $0x5FFFF  }
0xac: {  	[dreg:$0x1] =	wrdreg $0xFFFFFFFF  }
0xad: {  	[dreg:$0x0] =	wrdreg $0x60  }
0xae: {  	[dreg:$0x2] =	wrdreg s2  }
0xaf: {  	[dreg:$0x3] =	wrdreg s24  }
0xb0: {  	[dreg:$0x4] =	wrdreg $0x52000  }
0xb1: {  	[dreg:$0x5] =	wrdreg $0x9  }
0xb2: {  	_ =	task.clear_ibuf [dreg:s7], $0x6FFFF;
	_ =	strace $0x90000046  }
0xb3: {  	s29 =	simm.s32 $0x9;
	_ =	strace $0x80000048  }
0xb4: {  	_ =	swait.ge [sflag:s29], $0x1  }
0xb5: {  	[sflag:s29] =	ssyncadd.s32 $0xFFFFFFFF  }
0xb6: {  	_ =	strace $0x90000048  }
0xb7: {  	_ =	sfence  }
0xb8: {  	s30 =	sld [smem:$0x0];
	_ =	sdelay $0x2  }
0xb9: {  	s31 =	sshll.u32 s1, $0xD;
	s1 =	sshrl.u32 s1, $0x2  }
0xba: {  	s3 =	sand.u32 $0x4000, s31;
	s1 =	sadd.s32 s1, s30  }
0xbb: {  	s0 =	sor.u32 s3, s0;
	s1 =	sshll.u32 s1, $0x11  }
0xbc: {  	s0 =	sor.u32 s1, s0  }
0xbd: {  	s0 =	sadd.s32 $0x8F2B, s0  }
0xbe: {  	[sflag:s0] =	ssyncadd.remote.s32 $0x1  }
0xbf: {  	_ =	sfence.sel $0xFFFF  }
0xc0: {  	[dreg:$0x0] =	wrdreg $0xFFFFFFFF;
	(pc) =	sbr.abs _section_cstart, $3  }
0xc1: {  	[dreg:$0x1] =	wrdreg $0xFFFFFFFF  }
0xc2: {  	_ =	task.clear_ibuf [dreg:s7], $0x2FFFF;
	_ =	strace $0x9FFFFFFF  }
0xc3: {  	(tm) =	ssettm $0x7FFFFFFF  }
tec
execute0_lowered:
.L_overlay_start_1:
0x0: {  	(tag) =	ssettag $0x1  }
0x1: {  	s0 =	srdreg.scid  }
0x2: {  	s6 =	sand.u32 $0x1, s0;
	s0 =	stileid.u32  }
0x3: {  	s5 =	smul.u32 $0x280, s0  }
0x4: {  	s4 =	rddreg [dreg:$0x0];
	s1 =	sshll.u32 s6, $0x4;
	s9 =	smul.u32 $0x2800, s6  }
0x5: {  	s8 =	rddreg [dreg:$0x1];
	s7 =	sor.u32 s0, s1  }
0x6: {  	s2 =	rddreg [dreg:$0x2];
	s3 =	smul.u32 $0x4E, s7;
	s9 =	sadd.s32 s5, s9  }
0x7: {  	s1 =	rddreg [dreg:$0x3];
	s10 =	smin.u32 s7, $0x4;
	s9 =	sshrl.u32 s9, $0x3  }
0x8: {  	s10 =	sadd.s32 s10, s3;
	s3 =	simm.s32 $0x0;
	s8 =	sadd.s32 s9, s8  }
0x9: {  	[smem:$0x7FF] =	sst s3;
	s8 =	sadd.s32 $0xA00, s8  }
0xa: {  	s12 =	simm.s32 $0x180;
	_ =	strace $0x80000047;
	[dreg:$0x5] =	wrdreg s8  }
0xb: {  	s13 =	simm.s32 $0x280;
	[dreg:$0x6] =	wrdreg s12  }
0xc: {  	s14 =	simm.s32 $0x380;
	[dreg:$0x7] =	wrdreg s13  }
0xd: {  	s15 =	simm.s32 $0x480;
	[dreg:$0x8] =	wrdreg s14  }
0xe: {  	s16 =	simm.s32 $0x580;
	[dreg:$0x9] =	wrdreg s15  }
0xf: {  	s17 =	simm.s32 $0x680;
	[dreg:$0xa] =	wrdreg s16  }
0x10: {  	s18 =	simm.s32 $0x780;
	[dreg:$0xb] =	wrdreg s17  }
0x11: {  	s19 =	simm.s32 $0x880;
	[dreg:$0xc] =	wrdreg s18  }
0x12: {  	s20 =	simm.s32 $0x980;
	[dreg:$0xd] =	wrdreg s19  }
0x13: {  	s21 =	simm.s32 $0xA80;
	[dreg:$0xe] =	wrdreg s20  }
0x14: {  	s22 =	simm.s32 $0xB80;
	[dreg:$0xf] =	wrdreg s21  }
0x15: {  	s23 =	simm.s32 $0xC80;
	[dreg:$0x10] =	wrdreg s22  }
0x16: {  	s24 =	simm.s32 $0xD80;
	[dreg:$0x11] =	wrdreg s23  }
0x17: {  	s25 =	simm.s32 $0xE80;
	[dreg:$0x12] =	wrdreg s24  }
0x18: {  	s26 =	simm.s32 $0xF80;
	[dreg:$0x13] =	wrdreg s25  }
0x19: {  	s28 =	simm.s32 $0x1080;
	[dreg:$0x14] =	wrdreg s26  }
0x1a: {  	s29 =	simm.s32 $0x1180;
	[dreg:$0x15] =	wrdreg s28  }
0x1b: {  	s30 =	simm.s32 $0x1280;
	[dreg:$0x16] =	wrdreg s29  }
0x1c: {  	s31 =	simm.s32 $0x1380;
	[dreg:$0x17] =	wrdreg s30  }
0x1d: {  	s9 =	simm.s32 $0x1480;
	s10 =	sshll.u32 s10, $0x5;
	[dreg:$0x18] =	wrdreg s31  }
0x1e: {  	s4 =	sadd.s32 s4, s10;
	[dreg:$0x19] =	wrdreg s9;
	s10 =	simm.s32 $0x1580  }
0x1f: {  	s12 =	simm.s32 $0x1780;
	[dreg:$0x1a] =	wrdreg s10  }
0x20: {  	s13 =	simm.s32 $0x1880;
	[dreg:$0x1c] =	wrdreg s12  }
0x21: {  	s14 =	simm.s32 $0x1980;
	[dreg:$0x1d] =	wrdreg s13  }
0x22: {  	s15 =	simm.s32 $0x1A80;
	[dreg:$0x1e] =	wrdreg s14  }
0x23: {  	s16 =	simm.s32 $0x1B80;
	[dreg:$0x1f] =	wrdreg s15  }
0x24: {  	s17 =	simm.s32 $0x1C80;
	[smem:$0x7D9] =	sst s16  }
0x25: {  	s18 =	simm.s32 $0x1D80;
	[smem:$0x7DA] =	sst s17  }
0x26: {  	s19 =	simm.s32 $0x1E80;
	[smem:$0x7DB] =	sst s18  }
0x27: {  	s20 =	simm.s32 $0x1F80;
	[smem:$0x7DC] =	sst s19  }
0x28: {  	s21 =	simm.s32 $0x2080;
	[smem:$0x7DD] =	sst s20  }
0x29: {  	s22 =	simm.s32 $0x2180;
	[smem:$0x7DE] =	sst s21  }
0x2a: {  	s23 =	simm.s32 $0x2280;
	[smem:$0x7DF] =	sst s22  }
0x2b: {  	s24 =	simm.s32 $0x2380;
	[smem:$0x7E0] =	sst s23  }
0x2c: {  	s25 =	simm.s32 $0x2480;
	[smem:$0x7E1] =	sst s24  }
0x2d: {  	s26 =	simm.s32 $0x2580;
	[smem:$0x7E2] =	sst s25  }
0x2e: {  	s28 =	simm.s32 $0x2680;
	[smem:$0x7E3] =	sst s26  }
0x2f: {  	s29 =	simm.s32 $0x2780;
	[smem:$0x7E4] =	sst s28  }
0x30: {  	s30 =	simm.s32 $0x2880;
	[smem:$0x7E5] =	sst s29  }
0x31: {  	s31 =	simm.s32 $0x2980;
	[smem:$0x7E6] =	sst s30  }
0x32: {  	s9 =	simm.s32 $0x2A80;
	[smem:$0x7E7] =	sst s31  }
0x33: {  	s11 =	sadd.s32 $0x9C0, s4;
	[smem:$0x7E8] =	sst s9  }
0x34: {  	s10 =	simm.s32 $0x2B80;
	[dreg:$0x4] =	wrdreg s11  }
0x35: {  	s12 =	simm.s32 $0x2D80;
	[smem:$0x7E9] =	sst s10  }
0x36: {  	s13 =	simm.s32 $0x2E80;
	[smem:$0x7EB] =	sst s12  }
0x37: {  	s14 =	simm.s32 $0x2F80;
	[smem:$0x7EC] =	sst s13  }
0x38: {  	s15 =	simm.s32 $0x3080;
	[smem:$0x7ED] =	sst s14  }
0x39: {  	s16 =	simm.s32 $0x3180;
	[smem:$0x7EE] =	sst s15  }
0x3a: {  	s17 =	simm.s32 $0x3280;
	[smem:$0x7EF] =	sst s16  }
0x3b: {  	s18 =	simm.s32 $0x3380;
	[smem:$0x7F0] =	sst s17  }
0x3c: {  	s19 =	simm.s32 $0x3480;
	[smem:$0x7F1] =	sst s18  }
0x3d: {  	s20 =	simm.s32 $0x3580;
	[smem:$0x7F2] =	sst s19  }
0x3e: {  	s6 =	ssub.s32 $0x2, s6;
	s21 =	simm.s32 $0x3680;
	[smem:$0x7F3] =	sst s20  }
0x3f: {  	s5 =	sadd.s32 s5, s2;
	s22 =	simm.s32 $0x3780;
	[smem:$0x7F4] =	sst s21  }
0x40: {  	p0 =	sgt.u32 s7, $0x3;
	s24 =	simm.s32 $0x3880;
	[smem:$0x7F5] =	sst s22  }
0x41: {  	s7 =	simm.s32 $0x4F80;
	s25 =	simm.s32 $0x3980;
	[smem:$0x7F6] =	sst s24  }
0x42: {  	s8 =	simm.s32 $0x3;
	s26 =	simm.s32 $0x3A80;
	[smem:$0x7F7] =	sst s25  }
0x43: {  	s23 =	sshrl.u32 s6, $0x1;
	s28 =	simm.s32 $0x3B80;
	[smem:$0x7F8] =	sst s26  }
0x44: {  	s29 =	simm.s32 $0x3C80;
	s30 =	simm.s32 $0x3D80;
	[smem:$0x7F9] =	sst s28  }
0x45: {  	s31 =	simm.s32 $0x3E80;
	s9 =	simm.s32 $0x2;
	[smem:$0x7FA] =	sst s29  }
0x46: {  	s11 =	simm.s32 $0x1680;
	s6 =	ssub.s32 s6, s23;
	[smem:$0x7FB] =	sst s30  }
0x47: {  	[smem:$0x7FC] =	sst s31;
	s12 =	simm.s32 $0x3F80;
	s10 =	simm.s32 $0x80  }
0x48: {  	s13 =	simm.s32 $0x4180;
	s14 =	simm.s32 $0x4280;
	s15 =	simm.s32 $0x4380  }
0x49: {  	s16 =	simm.s32 $0x4480;
	s17 =	simm.s32 $0x4580;
	s18 =	simm.s32 $0x4680  }
0x4a: {  	s19 =	simm.s32 $0x4780;
	s20 =	simm.s32 $0x4880;
	s21 =	simm.s32 $0x4980  }
0x4b: {  	s22 =	simm.s32 $0x4A80;
	s23 =	simm.s32 $0x4B80;
	s24 =	simm.s32 $0x4C80  }
0x4c: {  	s25 =	simm.s32 $0x4D80;
	s26 =	simm.s32 $0x1;
	[dreg:$0x1b] =	wrdreg s11  }
0x4d: {  	s11 =	simm.s32 $0x2C80;
	s6 =	smax.u32 s6, $0x1;
	[smem:$0x7FD] =	sst s12  }
0x4e: {  	v0 =	vimm.f32 $1.000000000e+00;
	v1 =	vimm.f32 $0.0e+00;
	s12 =	simm.s32 $0x4080;
	[smem:$0x7EA] =	sst s11;
	s11 =	simm.s32 $0x4F00  }
.LBB2_1:
0x4f: {  	[tilespmem:s3], [sflag:$0x2] =	stream.linear.gather [hbm4b:s4+s3], $0x4E00, $0x38;
	[tilespmem:$0x5480] =	vst v63  }
0x50: {  	s28 =	rddreg [dreg:$0x4];
	s29 =	simm.s32 @!p0 $0x0;
	s30 =	simm.s32 @!p0 $0x4E00  }
0x51: {  	[tilespmem:s30], [sflag:$0x3] =	stream.linear.gather @!p0 [hbm4b:s28+s29], $0x100, $0x38;
	[tilespmem:$0x5480] =	vst v63  }
0x52: {  	s28 =	simm.s32 @!p0 $0x3  }
0x53: {  	_ =	swait.ge @!p0 [sflag:s28], $0x100  }
0x54: {  	[sflag:s28] =	ssyncset.done @!p0 $0x0  }
0x55: {  	[sflag:s28] =	ssyncadd.s32 @!p0 $0xFFFFFF00  }
0x56: {  	[tilespmem:$0x4F00] =	vst v0  }
0x57: {  	[tilespmem:$0x4F10] =	vst v0  }
0x58: {  	[tilespmem:$0x4F20] =	vst v0  }
0x59: {  	[tilespmem:$0x4F30] =	vst v0  }
0x5a: {  	[tilespmem:$0x4F40] =	vst v0  }
0x5b: {  	[tilespmem:$0x4F50] =	vst v0  }
0x5c: {  	[tilespmem:$0x4F60] =	vst v0  }
0x5d: {  	[tilespmem:$0x4F70] =	vst v0  }
0x5e: {  	[tilespmem:$0x4F80] =	vst v1  }
0x5f: {  	[tilespmem:$0x4F90] =	vst v1  }
0x60: {  	[tilespmem:$0x4FA0] =	vst v1  }
0x61: {  	[tilespmem:$0x4FB0] =	vst v1  }
0x62: {  	[tilespmem:$0x4FC0] =	vst v1  }
0x63: {  	[tilespmem:$0x4FD0] =	vst v1  }
0x64: {  	[tilespmem:$0x4FE0] =	vst v1  }
0x65: {  	[tilespmem:$0x4FF0] =	vst v1  }
0x66: {  	[tilespmem:$0x5000] =	vst v1  }
0x67: {  	[tilespmem:$0x5010] =	vst v1  }
0x68: {  	[tilespmem:$0x5020] =	vst v1  }
0x69: {  	[tilespmem:$0x5030] =	vst v1  }
0x6a: {  	[tilespmem:$0x5040] =	vst v1  }
0x6b: {  	[tilespmem:$0x5050] =	vst v1  }
0x6c: {  	[tilespmem:$0x5060] =	vst v1  }
0x6d: {  	[tilespmem:$0x5070] =	vst v1  }
0x6e: {  	[tilespmem:$0x5080] =	vst v1  }
0x6f: {  	[tilespmem:$0x5090] =	vst v1  }
0x70: {  	[tilespmem:$0x50A0] =	vst v1  }
0x71: {  	[tilespmem:$0x50B0] =	vst v1  }
0x72: {  	[tilespmem:$0x50C0] =	vst v1  }
0x73: {  	[tilespmem:$0x50D0] =	vst v1  }
0x74: {  	[tilespmem:$0x50E0] =	vst v1  }
0x75: {  	[tilespmem:$0x50F0] =	vst v1  }
0x76: {  	[tilespmem:$0x5100] =	vst v1  }
0x77: {  	[tilespmem:$0x5110] =	vst v1  }
0x78: {  	[tilespmem:$0x5120] =	vst v1  }
0x79: {  	[tilespmem:$0x5130] =	vst v1  }
0x7a: {  	[tilespmem:$0x5140] =	vst v1  }
0x7b: {  	[tilespmem:$0x5150] =	vst v1  }
0x7c: {  	[tilespmem:$0x5160] =	vst v1  }
0x7d: {  	[tilespmem:$0x5170] =	vst v1  }
0x7e: {  	[tilespmem:$0x5180] =	vst v1  }
0x7f: {  	[tilespmem:$0x5190] =	vst v1  }
0x80: {  	[tilespmem:$0x51A0] =	vst v1  }
0x81: {  	[tilespmem:$0x51B0] =	vst v1  }
0x82: {  	[tilespmem:$0x51C0] =	vst v1  }
0x83: {  	[tilespmem:$0x51D0] =	vst v1  }
0x84: {  	[tilespmem:$0x51E0] =	vst v1  }
0x85: {  	[tilespmem:$0x51F0] =	vst v1  }
0x86: {  	[spmem:s5] =	stream.linear.scatter [tilespmem:s7], [sflag:$0x3], $0x280, $0x38;
	[tilespmem:$0x5480] =	vst v63  }
0x87: {  	_ =	swait.ge [sflag:s8], $0x280  }
0x88: {  	[sflag:s8] =	ssyncset.done $0x0  }
0x89: {  	[sflag:s8] =	ssyncadd.s32 $0xFFFFFD80  }
0x8a: {  	[bflag:$0x0] =	sbarrier.arrive $0xFFFF  }
0x8b: {  	_ =	swait.ge [sflag:s9], $0x4E00  }
0x8c: {  	[sflag:s9] =	ssyncset.done $0x0  }
0x8d: {  	s31 =	rddreg [dreg:$0x6];
	[sflag:s9] =	ssyncadd.s32 $0xFFFFB200  }
0x8e: {  	[spmem:s2] =	stream.indirect.scatter.add.f32 [tilespmem:s11], [sflag:$0x1], $0x1, s10, s10, $0xb8;
	[tilespmem:$0x5480] =	vst v63  }
0x8f: {  	s30 =	rddreg [dreg:$0x7]  }
0x90: {  	[spmem:s2] =	stream.indirect.scatter.add.f32 [tilespmem:s11], [sflag:$0x1], $0x1, s31, s10, $0xb8;
	[tilespmem:$0x5480] =	vst v63  }
0x91: {  	s31 =	rddreg [dreg:$0x8]  }
0x92: {  	[spmem:s2] =	stream.indirect.scatter.add.f32 [tilespmem:s11], [sflag:$0x1], $0x1, s30, s10, $0xb8;
	[tilespmem:$0x5480] =	vst v63  }
0x93: {  	s30 =	rddreg [dreg:$0x9]  }
0x94: {  	[spmem:s2] =	stream.indirect.scatter.add.f32 [tilespmem:s11], [sflag:$0x1], $0x1, s31, s10, $0xb8;
	[tilespmem:$0x5480] =	vst v63  }
0x95: {  	s31 =	rddreg [dreg:$0xa]  }
0x96: {  	[spmem:s2] =	stream.indirect.scatter.add.f32 [tilespmem:s11], [sflag:$0x1], $0x1, s30, s10, $0xb8;
	[tilespmem:$0x5480] =	vst v63  }
0x97: {  	s30 =	rddreg [dreg:$0xb]  }
0x98: {  	[spmem:s2] =	stream.indirect.scatter.add.f32 [tilespmem:s11], [sflag:$0x1], $0x1, s31, s10, $0xb8;
	[tilespmem:$0x5480] =	vst v63  }
0x99: {  	s31 =	rddreg [dreg:$0xc]  }
0x9a: {  	[spmem:s2] =	stream.indirect.scatter.add.f32 [tilespmem:s11], [sflag:$0x1], $0x1, s30, s10, $0xb8;
	[tilespmem:$0x5480] =	vst v63  }
0x9b: {  	s30 =	rddreg [dreg:$0xd]  }
0x9c: {  	[spmem:s2] =	stream.indirect.scatter.add.f32 [tilespmem:s11], [sflag:$0x1], $0x1, s31, s10, $0xb8;
	[tilespmem:$0x5480] =	vst v63  }
0x9d: {  	s31 =	rddreg [dreg:$0xe]  }
0x9e: {  	[spmem:s2] =	stream.indirect.scatter.add.f32 [tilespmem:s11], [sflag:$0x1], $0x1, s30, s10, $0xb8;
	[tilespmem:$0x5480] =	vst v63  }
0x9f: {  	s30 =	rddreg [dreg:$0xf]  }
0xa0: {  	[spmem:s2] =	stream.indirect.scatter.add.f32 [tilespmem:s11], [sflag:$0x1], $0x1, s31, s10, $0xb8;
	[tilespmem:$0x5480] =	vst v63  }
0xa1: {  	s31 =	rddreg [dreg:$0x10]  }
0xa2: {  	[spmem:s2] =	stream.indirect.scatter.add.f32 [tilespmem:s11], [sflag:$0x1], $0x1, s30, s10, $0xb8;
	[tilespmem:$0x5480] =	vst v63  }
0xa3: {  	s30 =	rddreg [dreg:$0x11]  }
0xa4: {  	[spmem:s2] =	stream.indirect.scatter.add.f32 [tilespmem:s11], [sflag:$0x1], $0x1, s31, s10, $0xb8;
	[tilespmem:$0x5480] =	vst v63  }
0xa5: {  	s31 =	rddreg [dreg:$0x12]  }
0xa6: {  	[spmem:s2] =	stream.indirect.scatter.add.f32 [tilespmem:s11], [sflag:$0x1], $0x1, s30, s10, $0xb8;
	[tilespmem:$0x5480] =	vst v63  }
0xa7: {  	s30 =	rddreg [dreg:$0x13]  }
0xa8: {  	[spmem:s2] =	stream.indirect.scatter.add.f32 [tilespmem:s11], [sflag:$0x1], $0x1, s31, s10, $0xb8;
	[tilespmem:$0x5480] =	vst v63  }
0xa9: {  	s31 =	rddreg [dreg:$0x14]  }
0xaa: {  	[spmem:s2] =	stream.indirect.scatter.add.f32 [tilespmem:s11], [sflag:$0x1], $0x1, s30, s10, $0xb8;
	[tilespmem:$0x5480] =	vst v63  }
0xab: {  	s30 =	rddreg [dreg:$0x15]  }
0xac: {  	[spmem:s2] =	stream.indirect.scatter.add.f32 [tilespmem:s11], [sflag:$0x1], $0x1, s31, s10, $0xb8;
	[tilespmem:$0x5480] =	vst v63  }
0xad: {  	s31 =	rddreg [dreg:$0x16]  }
0xae: {  	[spmem:s2] =	stream.indirect.scatter.add.f32 [tilespmem:s11], [sflag:$0x1], $0x1, s30, s10, $0xb8;
	[tilespmem:$0x5480] =	vst v63  }
0xaf: {  	s30 =	rddreg [dreg:$0x17]  }
0xb0: {  	[spmem:s2] =	stream.indirect.scatter.add.f32 [tilespmem:s11], [sflag:$0x1], $0x1, s31, s10, $0xb8;
	[tilespmem:$0x5480] =	vst v63  }
0xb1: {  	s31 =	rddreg [dreg:$0x18]  }
0xb2: {  	[spmem:s2] =	stream.indirect.scatter.add.f32 [tilespmem:s11], [sflag:$0x1], $0x1, s30, s10, $0xb8;
	[tilespmem:$0x5480] =	vst v63  }
0xb3: {  	s30 =	rddreg [dreg:$0x19]  }
0xb4: {  	[spmem:s2] =	stream.indirect.scatter.add.f32 [tilespmem:s11], [sflag:$0x1], $0x1, s31, s10, $0xb8;
	[tilespmem:$0x5480] =	vst v63  }
0xb5: {  	s31 =	rddreg [dreg:$0x1a]  }
0xb6: {  	[spmem:s2] =	stream.indirect.scatter.add.f32 [tilespmem:s11], [sflag:$0x1], $0x1, s30, s10, $0xb8;
	[tilespmem:$0x5480] =	vst v63  }
0xb7: {  	s30 =	rddreg [dreg:$0x1b]  }
0xb8: {  	[spmem:s2] =	stream.indirect.scatter.add.f32 [tilespmem:s11], [sflag:$0x1], $0x1, s31, s10, $0xb8;
	[tilespmem:$0x5480] =	vst v63  }
0xb9: {  	s31 =	rddreg [dreg:$0x1c]  }
0xba: {  	[spmem:s2] =	stream.indirect.scatter.add.f32 [tilespmem:s11], [sflag:$0x1], $0x1, s30, s10, $0xb8;
	[tilespmem:$0x5480] =	vst v63  }
0xbb: {  	s30 =	rddreg [dreg:$0x1d]  }
0xbc: {  	[spmem:s2] =	stream.indirect.scatter.add.f32 [tilespmem:s11], [sflag:$0x1], $0x1, s31, s10, $0xb8;
	[tilespmem:$0x5480] =	vst v63  }
0xbd: {  	s31 =	rddreg [dreg:$0x1e]  }
0xbe: {  	[spmem:s2] =	stream.indirect.scatter.add.f32 [tilespmem:s11], [sflag:$0x1], $0x1, s30, s10, $0xb8;
	[tilespmem:$0x5480] =	vst v63  }
0xbf: {  	s30 =	rddreg [dreg:$0x1f]  }
0xc0: {  	[spmem:s2] =	stream.indirect.scatter.add.f32 [tilespmem:s11], [sflag:$0x1], $0x1, s31, s10, $0xb8;
	[tilespmem:$0x5480] =	vst v63  }
0xc1: {  	s31 =	sld [smem:$0x7D9]  }
0xc2: {  	[spmem:s2] =	stream.indirect.scatter.add.f32 [tilespmem:s11], [sflag:$0x1], $0x1, s30, s10, $0xb8;
	[tilespmem:$0x5480] =	vst v63  }
0xc3: {  	s30 =	sld [smem:$0x7DA]  }
0xc4: {  	[spmem:s2] =	stream.indirect.scatter.add.f32 [tilespmem:s11], [sflag:$0x1], $0x1, s31, s10, $0xb8;
	[tilespmem:$0x5480] =	vst v63  }
0xc5: {  	s31 =	sld [smem:$0x7DB]  }
0xc6: {  	[spmem:s2] =	stream.indirect.scatter.add.f32 [tilespmem:s11], [sflag:$0x1], $0x1, s30, s10, $0xb8;
	[tilespmem:$0x5480] =	vst v63  }
0xc7: {  	s30 =	sld [smem:$0x7DC]  }
0xc8: {  	[spmem:s2] =	stream.indirect.scatter.add.f32 [tilespmem:s11], [sflag:$0x1], $0x1, s31, s10, $0xb8;
	[tilespmem:$0x5480] =	vst v63  }
0xc9: {  	s31 =	sld [smem:$0x7DD]  }
0xca: {  	[spmem:s2] =	stream.indirect.scatter.add.f32 [tilespmem:s11], [sflag:$0x1], $0x1, s30, s10, $0xb8;
	[tilespmem:$0x5480] =	vst v63  }
0xcb: {  	s30 =	sld [smem:$0x7DE]  }
0xcc: {  	[spmem:s2] =	stream.indirect.scatter.add.f32 [tilespmem:s11], [sflag:$0x1], $0x1, s31, s10, $0xb8;
	[tilespmem:$0x5480] =	vst v63  }
0xcd: {  	s31 =	sld [smem:$0x7DF]  }
0xce: {  	[spmem:s2] =	stream.indirect.scatter.add.f32 [tilespmem:s11], [sflag:$0x1], $0x1, s30, s10, $0xb8;
	[tilespmem:$0x5480] =	vst v63  }
0xcf: {  	s30 =	sld [smem:$0x7E0]  }
0xd0: {  	[spmem:s2] =	stream.indirect.scatter.add.f32 [tilespmem:s11], [sflag:$0x1], $0x1, s31, s10, $0xb8;
	[tilespmem:$0x5480] =	vst v63  }
0xd1: {  	s31 =	sld [smem:$0x7E1]  }
0xd2: {  	[spmem:s2] =	stream.indirect.scatter.add.f32 [tilespmem:s11], [sflag:$0x1], $0x1, s30, s10, $0xb8;
	[tilespmem:$0x5480] =	vst v63  }
0xd3: {  	s30 =	sld [smem:$0x7E2]  }
0xd4: {  	[spmem:s2] =	stream.indirect.scatter.add.f32 [tilespmem:s11], [sflag:$0x1], $0x1, s31, s10, $0xb8;
	[tilespmem:$0x5480] =	vst v63  }
0xd5: {  	s31 =	sld [smem:$0x7E3]  }
0xd6: {  	[spmem:s2] =	stream.indirect.scatter.add.f32 [tilespmem:s11], [sflag:$0x1], $0x1, s30, s10, $0xb8;
	[tilespmem:$0x5480] =	vst v63  }
0xd7: {  	s30 =	sld [smem:$0x7E4]  }
0xd8: {  	[spmem:s2] =	stream.indirect.scatter.add.f32 [tilespmem:s11], [sflag:$0x1], $0x1, s31, s10, $0xb8;
	[tilespmem:$0x5480] =	vst v63  }
0xd9: {  	s31 =	sld [smem:$0x7E5]  }
0xda: {  	[spmem:s2] =	stream.indirect.scatter.add.f32 [tilespmem:s11], [sflag:$0x1], $0x1, s30, s10, $0xb8;
	[tilespmem:$0x5480] =	vst v63  }
0xdb: {  	s30 =	sld [smem:$0x7E6]  }
0xdc: {  	[spmem:s2] =	stream.indirect.scatter.add.f32 [tilespmem:s11], [sflag:$0x1], $0x1, s31, s10, $0xb8;
	[tilespmem:$0x5480] =	vst v63  }
0xdd: {  	s31 =	sld [smem:$0x7E7]  }
0xde: {  	[spmem:s2] =	stream.indirect.scatter.add.f32 [tilespmem:s11], [sflag:$0x1], $0x1, s30, s10, $0xb8;
	[tilespmem:$0x5480] =	vst v63  }
0xdf: {  	s30 =	sld [smem:$0x7E8]  }
0xe0: {  	[spmem:s2] =	stream.indirect.scatter.add.f32 [tilespmem:s11], [sflag:$0x1], $0x1, s31, s10, $0xb8;
	[tilespmem:$0x5480] =	vst v63  }
0xe1: {  	s31 =	sld [smem:$0x7E9]  }
0xe2: {  	[spmem:s2] =	stream.indirect.scatter.add.f32 [tilespmem:s11], [sflag:$0x1], $0x1, s30, s10, $0xb8;
	[tilespmem:$0x5480] =	vst v63  }
0xe3: {  	s30 =	sld [smem:$0x7EA]  }
0xe4: {  	[spmem:s2] =	stream.indirect.scatter.add.f32 [tilespmem:s11], [sflag:$0x1], $0x1, s31, s10, $0xb8;
	[tilespmem:$0x5480] =	vst v63  }
0xe5: {  	s31 =	sld [smem:$0x7EB]  }
0xe6: {  	[spmem:s2] =	stream.indirect.scatter.add.f32 [tilespmem:s11], [sflag:$0x1], $0x1, s30, s10, $0xb8;
	[tilespmem:$0x5480] =	vst v63  }
0xe7: {  	s30 =	sld [smem:$0x7EC]  }
0xe8: {  	[spmem:s2] =	stream.indirect.scatter.add.f32 [tilespmem:s11], [sflag:$0x1], $0x1, s31, s10, $0xb8;
	[tilespmem:$0x5480] =	vst v63  }
0xe9: {  	s31 =	sld [smem:$0x7ED]  }
0xea: {  	[spmem:s2] =	stream.indirect.scatter.add.f32 [tilespmem:s11], [sflag:$0x1], $0x1, s30, s10, $0xb8;
	[tilespmem:$0x5480] =	vst v63  }
0xeb: {  	s30 =	sld [smem:$0x7EE]  }
0xec: {  	[spmem:s2] =	stream.indirect.scatter.add.f32 [tilespmem:s11], [sflag:$0x1], $0x1, s31, s10, $0xb8;
	[tilespmem:$0x5480] =	vst v63  }
0xed: {  	s31 =	sld [smem:$0x7EF]  }
0xee: {  	[spmem:s2] =	stream.indirect.scatter.add.f32 [tilespmem:s11], [sflag:$0x1], $0x1, s30, s10, $0xb8;
	[tilespmem:$0x5480] =	vst v63  }
0xef: {  	s30 =	sld [smem:$0x7F0]  }
0xf0: {  	[spmem:s2] =	stream.indirect.scatter.add.f32 [tilespmem:s11], [sflag:$0x1], $0x1, s31, s10, $0xb8;
	[tilespmem:$0x5480] =	vst v63  }
0xf1: {  	s31 =	sld [smem:$0x7F1]  }
0xf2: {  	[spmem:s2] =	stream.indirect.scatter.add.f32 [tilespmem:s11], [sflag:$0x1], $0x1, s30, s10, $0xb8;
	[tilespmem:$0x5480] =	vst v63  }
0xf3: {  	s30 =	sld [smem:$0x7F2]  }
0xf4: {  	[spmem:s2] =	stream.indirect.scatter.add.f32 [tilespmem:s11], [sflag:$0x1], $0x1, s31, s10, $0xb8;
	[tilespmem:$0x5480] =	vst v63  }
0xf5: {  	s31 =	sld [smem:$0x7F3]  }
0xf6: {  	[spmem:s2] =	stream.indirect.scatter.add.f32 [tilespmem:s11], [sflag:$0x1], $0x1, s30, s10, $0xb8;
	[tilespmem:$0x5480] =	vst v63  }
0xf7: {  	s30 =	sld [smem:$0x7F4]  }
0xf8: {  	[spmem:s2] =	stream.indirect.scatter.add.f32 [tilespmem:s11], [sflag:$0x1], $0x1, s31, s10, $0xb8;
	[tilespmem:$0x5480] =	vst v63  }
0xf9: {  	s31 =	sld [smem:$0x7F5]  }
0xfa: {  	[spmem:s2] =	stream.indirect.scatter.add.f32 [tilespmem:s11], [sflag:$0x1], $0x1, s30, s10, $0xb8;
	[tilespmem:$0x5480] =	vst v63  }
0xfb: {  	s30 =	sld [smem:$0x7F6]  }
0xfc: {  	[spmem:s2] =	stream.indirect.scatter.add.f32 [tilespmem:s11], [sflag:$0x1], $0x1, s31, s10, $0xb8;
	[tilespmem:$0x5480] =	vst v63  }
0xfd: {  	s31 =	sld [smem:$0x7F7]  }
0xfe: {  	[spmem:s2] =	stream.indirect.scatter.add.f32 [tilespmem:s11], [sflag:$0x1], $0x1, s30, s10, $0xb8;
	[tilespmem:$0x5480] =	vst v63  }
0xff: {  	s30 =	sld [smem:$0x7F8]  }
0x100: {  	[spmem:s2] =	stream.indirect.scatter.add.f32 [tilespmem:s11], [sflag:$0x1], $0x1, s31, s10, $0xb8;
	[tilespmem:$0x5480] =	vst v63  }
0x101: {  	s31 =	sld [smem:$0x7F9]  }
0x102: {  	[spmem:s2] =	stream.indirect.scatter.add.f32 [tilespmem:s11], [sflag:$0x1], $0x1, s30, s10, $0xb8;
	[tilespmem:$0x5480] =	vst v63  }
0x103: {  	s30 =	sld [smem:$0x7FA]  }
0x104: {  	[spmem:s2] =	stream.indirect.scatter.add.f32 [tilespmem:s11], [sflag:$0x1], $0x1, s31, s10, $0xb8;
	[tilespmem:$0x5480] =	vst v63  }
0x105: {  	s31 =	sld [smem:$0x7FB]  }
0x106: {  	[spmem:s2] =	stream.indirect.scatter.add.f32 [tilespmem:s11], [sflag:$0x1], $0x1, s30, s10, $0xb8;
	[tilespmem:$0x5480] =	vst v63  }
0x107: {  	s30 =	sld [smem:$0x7FC]  }
0x108: {  	[spmem:s2] =	stream.indirect.scatter.add.f32 [tilespmem:s11], [sflag:$0x1], $0x1, s31, s10, $0xb8;
	[tilespmem:$0x5480] =	vst v63  }
0x109: {  	s31 =	sld [smem:$0x7FD]  }
0x10a: {  	[spmem:s2] =	stream.indirect.scatter.add.f32 [tilespmem:s11], [sflag:$0x1], $0x1, s30, s10, $0xb8;
	[tilespmem:$0x5480] =	vst v63  }
0x10b: {  	_ = 	snop  }
0x10c: {  	[spmem:s2] =	stream.indirect.scatter.add.f32 [tilespmem:s11], [sflag:$0x1], $0x1, s31, s10, $0xb8;
	[tilespmem:$0x5480] =	vst v63  }
0x10d: {  	_ = 	snop  }
0x10e: {  	[spmem:s2] =	stream.indirect.scatter.add.f32 [tilespmem:s11], [sflag:$0x1], $0x1, s12, s10, $0xb8;
	[tilespmem:$0x5480] =	vst v63  }
0x10f: {  	_ = 	snop  }
0x110: {  	[spmem:s2] =	stream.indirect.scatter.add.f32 [tilespmem:s11], [sflag:$0x1], $0x1, s13, s10, $0xb8;
	[tilespmem:$0x5480] =	vst v63  }
0x111: {  	_ = 	snop  }
0x112: {  	[spmem:s2] =	stream.indirect.scatter.add.f32 [tilespmem:s11], [sflag:$0x1], $0x1, s14, s10, $0xb8;
	[tilespmem:$0x5480] =	vst v63  }
0x113: {  	_ = 	snop  }
0x114: {  	[spmem:s2] =	stream.indirect.scatter.add.f32 [tilespmem:s11], [sflag:$0x1], $0x1, s15, s10, $0xb8;
	[tilespmem:$0x5480] =	vst v63  }
0x115: {  	_ = 	snop  }
0x116: {  	[spmem:s2] =	stream.indirect.scatter.add.f32 [tilespmem:s11], [sflag:$0x1], $0x1, s16, s10, $0xb8;
	[tilespmem:$0x5480] =	vst v63  }
0x117: {  	_ = 	snop  }
0x118: {  	[spmem:s2] =	stream.indirect.scatter.add.f32 [tilespmem:s11], [sflag:$0x1], $0x1, s17, s10, $0xb8;
	[tilespmem:$0x5480] =	vst v63  }
0x119: {  	_ = 	snop  }
0x11a: {  	[spmem:s2] =	stream.indirect.scatter.add.f32 [tilespmem:s11], [sflag:$0x1], $0x1, s18, s10, $0xb8;
	[tilespmem:$0x5480] =	vst v63  }
0x11b: {  	_ = 	snop  }
0x11c: {  	[spmem:s2] =	stream.indirect.scatter.add.f32 [tilespmem:s11], [sflag:$0x1], $0x1, s19, s10, $0xb8;
	[tilespmem:$0x5480] =	vst v63  }
0x11d: {  	_ = 	snop  }
0x11e: {  	[spmem:s2] =	stream.indirect.scatter.add.f32 [tilespmem:s11], [sflag:$0x1], $0x1, s20, s10, $0xb8;
	[tilespmem:$0x5480] =	vst v63  }
0x11f: {  	_ = 	snop  }
0x120: {  	[spmem:s2] =	stream.indirect.scatter.add.f32 [tilespmem:s11], [sflag:$0x1], $0x1, s21, s10, $0xb8;
	[tilespmem:$0x5480] =	vst v63  }
0x121: {  	_ = 	snop  }
0x122: {  	[spmem:s2] =	stream.indirect.scatter.add.f32 [tilespmem:s11], [sflag:$0x1], $0x1, s22, s10, $0xb8;
	[tilespmem:$0x5480] =	vst v63  }
0x123: {  	_ = 	snop  }
0x124: {  	[spmem:s2] =	stream.indirect.scatter.add.f32 [tilespmem:s11], [sflag:$0x1], $0x1, s23, s10, $0xb8;
	[tilespmem:$0x5480] =	vst v63  }
0x125: {  	_ = 	snop  }
0x126: {  	[spmem:s2] =	stream.indirect.scatter.add.f32 [tilespmem:s11], [sflag:$0x1], $0x1, s24, s10, $0xb8;
	[tilespmem:$0x5480] =	vst v63  }
0x127: {  	_ = 	snop  }
0x128: {  	[spmem:s2] =	stream.indirect.scatter.add.f32 [tilespmem:s11], [sflag:$0x1], $0x1, s25, s10, $0xb8;
	[tilespmem:$0x5480] =	vst v63  }
0x129: {  	s29 =	simm.s32 @!p0 $0x80;
	s30 =	simm.s32 @!p0 $0x4E80;
	s31 =	simm.s32 @!p0 $0x4F00  }
0x12a: {  	[spmem:s2] =	stream.indirect.scatter.add.f32 @!p0 [tilespmem:s31], [sflag:$0x3], $0x1, s30, s29, $0xb8;
	[tilespmem:$0x5480] =	vst v63  }
0x12b: {  	_ =	swait.ge @!p0 [sflag:s28], $0x80  }
0x12c: {  	[sflag:s28] =	ssyncset.done @!p0 $0x0  }
0x12d: {  	[sflag:s28] =	ssyncadd.s32 @!p0 $0xFFFFFF80  }
0x12e: {  	_ =	swait.ge [sflag:s26], $0x2700  }
0x12f: {  	[sflag:s26] =	ssyncset.done $0x0  }
0x130: {  	[sflag:s26] =	ssyncadd.s32 $0xFFFFD900  }
0x131: {  	[bflag:$0x0] =	sbarrier.arrive $0xFFFF  }
0x132: {  	[tilespmem:s7], [sflag:$0x3] =	stream.linear.gather [spmem:s5], $0x280, $0x38;
	[tilespmem:$0x5480] =	vst v63  }
0x133: {  	s6 =	sadd.s32 $0xFFFFFFFF, s6;
	_ =	swait.ge [sflag:s8], $0x280  }
0x134: {  	p1 =	sne.s32 s6, $0x0;
	[sflag:s8] =	ssyncset.done $0x0  }
.Ltmp0:
0x135: {  	s31 =	rddreg [dreg:$0x5];
	[sflag:s8] =	ssyncadd.s32 $0xFFFFFD80;
	(pc) =	sbr.rel @p1 .LBB2_1-.Ltmp0, $4  }
0x136: {  	[hbm4b:s31+s3] =	stream.linear.scatter [tilespmem:s7], [sflag:$0x3], $0x280, $0x38;
	[tilespmem:$0x5480] =	vst v63  }
0x137: {  	_ =	swait.ge [sflag:s8], $0x280  }
0x138: {  	[sflag:s8] =	ssyncset.done $0x0  }
0x139: {  	[sflag:s8] =	ssyncadd.s32 $0xFFFFFD80  }
0x13a: {  	_ =	sfence.sel $0x180000  }
0x13b: {  	[bflag:$0x0] =	sbarrier.arrive $0xFFFF  }
0x13c: {  	p0 =	sne.s32 s0, $0x0;
	_ =	strace $0x90000047  }
0x13d: {  	s0 =	sadd.s32 @!p0 $0x100000, s1;
	[bflag:$0x2] =	sbarrier.arrive $0xFFFF  }
0x13e: {  	[sflag:s0] =	ssyncadd.tile.s32 @!p0 $0x1;
	_ =	shalt  }
.Lfunc_end2:
_tile_overlayer_lowered:
.L_overlay_start_2:
0x13f: {  	(tag) =	ssettag $0x2  }
0x140: {  	s0 =	rddreg [dreg:$0x0];
	s2 =	stileid.u32  }
0x141: {  	s1 =	rddreg [dreg:$0x1];
	p0 =	sne.s32 s2, $0x0  }
0x142: {  	s3 =	rddreg [dreg:$0x2];
	[bflag:$0x3] =	sbarrier.arrive $0xFFFF;
	s2 =	simm.s32 @!p0 $0x1C03  }
0x143: {  	[timem:s3], [sflag:s2] =	dma.local @!p0 [hbm:s0], s1  }
0x144: {  	s0 =	simm.s32 @!p0 $0x3  }
0x145: {  	_ =	swait.ge @!p0 [sflag:s0], s1  }
0x146: {  	s1 =	ssub.s32 @!p0 $0x0, s1;
	[sflag:s0] =	ssyncset.done @!p0 $0x0  }
0x147: {  	[sflag:s0] =	ssyncadd.s32 @!p0 s1  }
0x148: {  	[bflag:$0x3] =	sbarrier.arrive $0xFFFF  }
0x149: {  	_ =	shalt  }

</sc_bundles>
